<compile_context>
chip_gen: v7x
topology: tpu7x:2x2x1
jax: 0.10.2.dev20260603
libtpu: 0.0.44.dev20260713+nightly
codegen_flags: <defaults>
</compile_context>

<pallas_src>
import functools

import jax
import jax.numpy as jnp
from jax import lax
from jax.experimental import pallas as pl
from jax.experimental.pallas import tpu as pltpu
from jax.experimental.pallas import tpu_sc as plsc

_NC = 2
_NS = 16
_NW = _NC * _NS
_WG = 16
_L = 16


def _transpose_block(src, dst, width, dim, col_iota):
    @plsc.parallel_loop(0, dim, step=1, unroll=8)
    def _pd(d):
        for l0 in range(0, width, _L):
            vals = src[d, pl.ds(l0, _L)]
            plsc.store_scatter(dst, [col_iota + (l0 * dim) + d], vals)


@functools.partial(jax.jit, static_argnames=("vocab", "dim"))
def _sc_transpose(w_t, tail_flat, vocab, dim):
    n_full = vocab // 128
    tail_n = (vocab - n_full * 128) * dim
    n_pairs = n_full // 2
    odd_vt = n_full - 1 if n_full % 2 else -1
    base_p = n_pairs // _NW
    extra_p = n_pairs - base_p * _NW
    mesh = plsc.VectorSubcoreMesh(core_axis_name="c", subcore_axis_name="s")

    def body(w_hbm, tail_hbm, out_hbm, buf0, buf1, tbuf0, tbuf1,
             rsem0, rsem1, wsem0, wsem1):
        wid = lax.axis_index("s") * _NC + lax.axis_index("c")
        my_np = jnp.where(wid < extra_p, base_p + 1, base_p)
        start_p = wid * base_p + jnp.minimum(wid, extra_p)
        col_iota = lax.iota(jnp.int32, _L) * dim
        bufs = (buf0, buf1)
        tbufs = (tbuf0, tbuf1)
        rsems = (rsem0, rsem1)
        wsems = (wsem0, wsem1)

        def read(vt, b):
            src_col = pl.multiple_of(vt * 128, 128)
            pltpu.async_copy(w_hbm.at[:, pl.ds(src_col, 128)], bufs[b],
                             rsems[b])

        def wait_read(b):
            pltpu.make_async_copy(w_hbm.at[:, pl.ds(0, 128)], bufs[b],
                                  rsems[b]).wait()

        def write(vt, b):
            dst_off = pl.multiple_of(vt * (128 * dim), 128 * dim)
            pltpu.async_copy(tbufs[b],
                             out_hbm.at[pl.ds(dst_off, 128 * dim)],
                             wsems[b])

        def wait_write(b):
            pltpu.make_async_copy(tbufs[b],
                                  out_hbm.at[pl.ds(0, 128 * dim)],
                                  wsems[b]).wait()

        @pl.when(my_np > 0)
        def _prime():
            read(2 * start_p, 0)

        def step(p, carry):
            vt0 = 2 * (start_p + p)
            read(vt0 + 1, 1)
            wait_read(0)

            @pl.when(p > 0)
            def _():
                wait_write(0)

            _transpose_block(bufs[0], tbufs[0], 128, dim, col_iota)
            write(vt0, 0)

            @pl.when(p + 1 < my_np)
            def _():
                read(vt0 + 2, 0)

            wait_read(1)

            @pl.when(p > 0)
            def _():
                wait_write(1)

            _transpose_block(bufs[1], tbufs[1], 128, dim, col_iota)
            write(vt0 + 1, 1)
            return carry

        lax.fori_loop(0, my_np, step, 0)

        @pl.when(my_np > 0)
        def _drain():
            wait_write(0)
            wait_write(1)

        if odd_vt >= 0:
            @pl.when(wid == 0)
            def _odd():
                read(odd_vt, 0)
                wait_read(0)
                _transpose_block(bufs[0], tbufs[0], 128, dim, col_iota)
                write(odd_vt, 0)
                wait_write(0)

        if tail_n:
            @pl.when(wid == _NW - 1)
            def _tail():
                pltpu.async_copy(
                    tail_hbm, tbuf0.at[pl.ds(0, tail_n)], rsem0
                ).wait()
                pltpu.async_copy(
                    tbuf0.at[pl.ds(0, tail_n)],
                    out_hbm.at[pl.ds(n_full * 128 * dim, tail_n)],
                    rsem0,
                ).wait()

    fn = pl.kernel(
        body,
        out_type=jax.ShapeDtypeStruct((vocab * dim,), jnp.float32),
        mesh=mesh,
        scratch_types=[
            pltpu.VMEM((dim, 128), jnp.float32),
            pltpu.VMEM((dim, 128), jnp.float32),
            pltpu.VMEM((128 * dim,), jnp.float32),
            pltpu.VMEM((128 * dim,), jnp.float32),
            pltpu.SemaphoreType.DMA,
            pltpu.SemaphoreType.DMA,
            pltpu.SemaphoreType.DMA,
            pltpu.SemaphoreType.DMA,
        ],
        compiler_params=pltpu.CompilerParams(needs_layout_passes=False),
    )
    return fn(w_t, tail_flat)


@functools.partial(jax.jit, static_argnames=("rows_per_w", "hist", "dim", "hc_sz"))
def _sc_embed_tiled(table, idx5, rows_per_w, hist, dim, hc_sz):
    batch = rows_per_w * _NW
    nbt = rows_per_w // 128
    n_hc = hist // hc_sz
    kd = dim // 8
    n_it = nbt * n_hc
    tr_per_it = 128 * hc_sz // 128
    n_tr = n_it * tr_per_it
    g_rows = 128 * hc_sz
    mesh = plsc.VectorSubcoreMesh(core_axis_name="c", subcore_axis_name="s")

    def body(w_hbm, idx_hbm, out_hbm, idx_v, g0, g1, st, gsem0, gsem1, wsem):
        wid = lax.axis_index("s") * _NC + lax.axis_index("c")
        pltpu.sync_copy(idx_hbm.at[wid], idx_v)
        iota = lax.iota(jnp.int32, _L)
        iota_h = iota * hc_sz
        gs = (g0, g1)
        gsems = (gsem0, gsem1)

        def fire(it, b):
            t0 = it * tr_per_it
            for j in range(tr_per_it):
                pltpu.async_copy(
                    w_hbm.at[idx_v.at[t0 + j]],
                    gs[b].at[pl.ds(j * 128, 128)],
                    gsems[b],
                )

        def drain(b):
            for j in range(tr_per_it):
                pltpu.make_async_copy(
                    w_hbm.at[idx_v.at[0]],
                    gs[b].at[pl.ds(0, 128)],
                    gsems[b],
                ).wait()

        def permute(b):
            @plsc.parallel_loop(0, hc_sz * dim, step=1, unroll=8)
            def _pi(i):
                hh = i // dim
                d = i - hh * dim
                k = d // 8
                sub = d - k * 8
                cols = jnp.full((_L,), 0, jnp.int32) + d
                rows0 = iota_h + hh
                for oct in range(8):
                    rows = rows0 + (oct * _L * hc_sz)
                    vals = plsc.load_gather(gs[b], [rows, cols])
                    st[hh, k, sub, pl.ds(oct * _L, _L)] = vals

        def wait_write():
            pltpu.make_async_copy(
                st, out_hbm.at[pl.ds(0, hc_sz), :, 0], wsem
            ).wait()

        def write(it):
            bt = it // n_hc
            hc = it - bt * n_hc
            btg = wid * nbt + bt
            pltpu.async_copy(
                st, out_hbm.at[pl.ds(hc * hc_sz, hc_sz), :, btg], wsem
            )

        fire(0, 0)

        def step(q, carry):
            it_a = 2 * q
            fire(it_a + 1, 1)
            drain(0)

            @pl.when(q > 0)
            def _():
                wait_write()

            permute(0)
            write(it_a)

            @pl.when(q + 1 < n_it // 2)
            def _():
                fire(it_a + 2, 0)

            drain(1)
            wait_write()
            permute(1)
            write(it_a + 1)
            return carry

        lax.fori_loop(0, n_it // 2, step, 0)
        wait_write()

    fn = pl.kernel(
        body,
        out_type=jax.ShapeDtypeStruct(
            (hist, kd, batch // 128, 8, 128), jnp.float32
        ),
        mesh=mesh,
        scratch_types=[
            pltpu.VMEM((n_tr, 128), jnp.int32),
            pltpu.VMEM((g_rows, dim), jnp.float32),
            pltpu.VMEM((g_rows, dim), jnp.float32),
            pltpu.VMEM((hc_sz, kd, 8, 128), jnp.float32),
            pltpu.SemaphoreType.DMA,
            pltpu.SemaphoreType.DMA,
            pltpu.SemaphoreType.DMA,
        ],
        compiler_params=pltpu.CompilerParams(
            use_tc_tiling_on_sc=False, needs_layout_passes=False
        ),
    )
    return fn(table, idx5)


def kernel(input_variable, weight):
    vocab, dim = weight.shape
    batch, hist = input_variable.shape
    idx = input_variable.astype(jnp.int32)
    grain = _NW * 256
    batch_pad = -(-batch // grain) * grain
    if batch_pad != batch:
        idx = jnp.pad(idx, ((0, batch_pad - batch), (0, 0)))
    n_full = vocab // 128
    if vocab % 128:
        tail_flat = weight[n_full * 128:].reshape(-1)
    else:
        tail_flat = weight[:1].reshape(-1)
    flat = _sc_transpose(jnp.transpose(weight), tail_flat, vocab, dim)
    table = flat.reshape(vocab, dim)

    hc_sz = 5 if hist % 5 == 0 else 1
    rows_per_w = batch_pad // _NW
    nbt = rows_per_w // 128
    idx5 = (
        idx.reshape(_NW, nbt, 128, hist // hc_sz, hc_sz)
        .transpose(0, 1, 3, 2, 4)
        .reshape(_NW, -1, 128)
    )
    out5 = _sc_embed_tiled(table, idx5, rows_per_w, hist, dim, hc_sz)
    out = out5.transpose(2, 4, 0, 1, 3).reshape(batch_pad, hist, dim)
    if batch_pad != batch:
        out = out[:batch]
    return out

# --- scband reference (transcript-rebuilt; emitter-appended) ---
"""Pipeline reference for scband-embedding-layer-44049184588300 (READ-ONLY COPY).

The authoritative reference and input builder live on the scoring server;
editing this copy changes nothing except your own understanding.
"""

import jax, jax.numpy as jnp
import numpy as np

VOCAB = 1000000
EMBED_DIM = 32
BATCH = 16384
HIST = 50

def setup_inputs(seed: int = 0) -> dict:
    key = jax.random.key(seed)
    k_idx, k_w = jax.random.split(key)
    input_variable = jax.random.randint(k_idx, (BATCH, HIST), 0, VOCAB, dtype=jnp.int64 if jax.config.jax_enable_x64 else jnp.int32)
    weight = jax.random.normal(k_w, (VOCAB, EMBED_DIM), dtype=jnp.float32)
    return {"input_variable": input_variable, "weight": weight}

def reference(input_variable, weight):
    # nn.Embedding forward: table gather
    embedded = jnp.take(weight, input_variable, axis=0)
    return embedded

if __name__ == "__main__":
    import jax
    _d = setup_inputs()
    print(jax.jit(kernel)(*tuple(_d.values())))

</pallas_src>

<mosaic_0001>
#map = affine_map<(d0, d1) -> (0, 0)>
#map1 = affine_map<(d0, d1) -> (0)>
module attributes {stable_mosaic.version = 14 : i64} {
  func.func @body(%arg0: i32, %arg1: i32, %arg2: memref<32x1000000xf32, #tpu.memory_space<hbm>>, %arg3: memref<2048xf32, #tpu.memory_space<hbm>>, %arg4: memref<32000000xf32, #tpu.memory_space<hbm>>, %arg5: memref<32x128xf32, #tpu.memory_space<vmem>>, %arg6: memref<32x128xf32, #tpu.memory_space<vmem>>, %arg7: memref<4096xf32, #tpu.memory_space<vmem>>, %arg8: memref<4096xf32, #tpu.memory_space<vmem>>, %arg9: memref<!tpu.dma_semaphore, #tpu.memory_space<semaphore_mem>>, %arg10: memref<!tpu.dma_semaphore, #tpu.memory_space<semaphore_mem>>, %arg11: memref<!tpu.dma_semaphore, #tpu.memory_space<semaphore_mem>>, %arg12: memref<!tpu.dma_semaphore, #tpu.memory_space<semaphore_mem>>) attributes {dimension_semantics = [#tpu.dimension_semantics<core_parallel>, #tpu.dimension_semantics<subcore_parallel>], iteration_bounds = array<i64: 2, 16>, scalar_prefetch = 0 : i64, scratch_operands = 8 : i64, tpu.core_type = #tpu.core_type<sc_vector_subcore>, window_params = [{transform_indices = #map}, {transform_indices = #map1}, {transform_indices = #map1}]} {
    %mul3A = arith.constant 2 : i32
    %mul3A_0 = arith.muli %arg1, %mul3A : i32
    %add3A = arith.addi %mul3A_0, %arg0 : i32
    %lt3A = arith.constant 2 : i32
    %lt3A_1 = arith.cmpi slt, %add3A, %lt3A : i32
    %jit3A = arith.constant 123 : i32
    %jit3A_2 = arith.constant 122 : i32
    %select_n3A = arith.select %lt3A_1, %jit3A, %jit3A_2 : i32
    %mul3A_3 = arith.constant 122 : i32
    %mul3A_4 = arith.muli %add3A, %mul3A_3 : i32
    %min3A = arith.constant 2 : i32
    %min3A_5 = arith.minsi %add3A, %min3A : i32
    %add3A_6 = arith.addi %mul3A_4, %min3A_5 : i32
    %iota3A = tpu.iota {dimensions = array<i32: 0>} : vector<16xi32>
    %mul3A_7 = arith.constant 32 : i32
    %mul3A_8 = vector.broadcast %mul3A_7 : i32 to vector<16xi32>
    %mul3A_9 = arith.muli %iota3A, %mul3A_8 : vector<16xi32>
    %gt3A = arith.constant 0 : i32
    %gt3A_10 = arith.cmpi sgt, %select_n3A, %gt3A : i32
    %convert_element_type3A = arith.extui %gt3A_10 : i1 to i32
    %cond3A = arith.constant 0 : i32
    %cond3A_11 = arith.cmpi ne, %convert_element_type3A, %cond3A : i32
    scf.if %cond3A_11 {
      %mul3A_30 = arith.constant 2 : i32
      %mul3A_31 = arith.muli %mul3A_30, %add3A_6 : i32
      %mul3A_32 = arith.constant 128 : i32
      %mul3A_33 = arith.muli %mul3A_31, %mul3A_32 : i32
      %multiple_of3A = tpu.assume_multiple %mul3A_33, 128 : i32
      %dma_start3A = arith.constant 0 : i32
      %dma_start3A_34 = tpu.memref_slice %arg2[%dma_start3A, %multiple_of3A] : memref<32x1000000xf32, #tpu.memory_space<hbm>> -> memref<32x128xf32, #tpu.memory_space<hbm>>
      %dma_start3A_35 = arith.constant 0 : i32
      %dma_start3A_36 = tpu.memref_slice %arg2[%dma_start3A_35, %multiple_of3A] : memref<32x1000000xf32, #tpu.memory_space<hbm>> -> memref<32x128xf32, #tpu.memory_space<hbm>>
      tpu.enqueue_dma source(%dma_start3A_36 : memref<32x128xf32, #tpu.memory_space<hbm>>) target(%arg5 : memref<32x128xf32, #tpu.memory_space<vmem>>) target_semaphore(%arg9 : memref<!tpu.dma_semaphore, #tpu.memory_space<semaphore_mem>>)
    } else {
    }
    %while3A = arith.constant 0 : i32
    %while3A_12 = arith.constant 0 : i32
    %while3A_13 = arith.subi %select_n3A, %while3A_12 : i32
    %while3A_14 = arith.addi %while3A_12, %while3A_13 : i32
    %while3A_15 = arith.constant 1 : i32
    %while3A_16 = arith.divsi %while3A_13, %while3A_15 : i32
    %while3A_17 = arith.muli %while3A_16, %while3A_15 : i32
    %while3A_18 = arith.addi %while3A_12, %while3A_17 : i32
    %while3A_19 = arith.constant 1 : i32
    scf.for %while3A_30 = %while3A_12 to %while3A_18 step %while3A_19  : i32 {
      %add3A_31 = arith.addi %add3A_6, %while3A_30 : i32
      %mul3A_32 = arith.constant 2 : i32
      %mul3A_33 = arith.muli %mul3A_32, %add3A_31 : i32
      %add3A_34 = arith.constant 1 : i32
      %add3A_35 = arith.addi %mul3A_33, %add3A_34 : i32
      %mul3A_36 = arith.constant 128 : i32
      %mul3A_37 = arith.muli %add3A_35, %mul3A_36 : i32
      %multiple_of3A = tpu.assume_multiple %mul3A_37, 128 : i32
      %dma_start3A = arith.constant 0 : i32
      %dma_start3A_38 = tpu.memref_slice %arg2[%dma_start3A, %multiple_of3A] : memref<32x1000000xf32, #tpu.memory_space<hbm>> -> memref<32x128xf32, #tpu.memory_space<hbm>>
      %dma_start3A_39 = arith.constant 0 : i32
      %dma_start3A_40 = tpu.memref_slice %arg2[%dma_start3A_39, %multiple_of3A] : memref<32x1000000xf32, #tpu.memory_space<hbm>> -> memref<32x128xf32, #tpu.memory_space<hbm>>
      tpu.enqueue_dma source(%dma_start3A_40 : memref<32x128xf32, #tpu.memory_space<hbm>>) target(%arg6 : memref<32x128xf32, #tpu.memory_space<vmem>>) target_semaphore(%arg10 : memref<!tpu.dma_semaphore, #tpu.memory_space<semaphore_mem>>)
      %dma_wait3A = arith.constant 0 : i32
      %dma_wait3A_41 = arith.constant 0 : i32
      %dma_wait3A_42 = tpu.memref_slice %arg2[%dma_wait3A, %dma_wait3A_41] : memref<32x1000000xf32, #tpu.memory_space<hbm>> -> memref<32x128xf32, #tpu.memory_space<hbm>>
      %dma_wait3A_43 = arith.constant 0 : i32
      %dma_wait3A_44 = arith.constant 0 : i32
      %dma_wait3A_45 = tpu.memref_slice %arg2[%dma_wait3A_43, %dma_wait3A_44] : memref<32x1000000xf32, #tpu.memory_space<hbm>> -> memref<32x128xf32, #tpu.memory_space<hbm>>
      tpu.wait_dma2 semaphore(%arg9 : memref<!tpu.dma_semaphore, #tpu.memory_space<semaphore_mem>>) src(%dma_wait3A_45 : memref<32x128xf32, #tpu.memory_space<hbm>>) dst(%arg5 : memref<32x128xf32, #tpu.memory_space<vmem>>)
      %gt3A_46 = arith.constant 0 : i32
      %gt3A_47 = arith.cmpi sgt, %while3A_30, %gt3A_46 : i32
      %convert_element_type3A_48 = arith.extui %gt3A_47 : i1 to i32
      %cond3A_49 = arith.constant 0 : i32
      %cond3A_50 = arith.cmpi ne, %convert_element_type3A_48, %cond3A_49 : i32
      scf.if %cond3A_50 {
        %dma_wait3A_85 = arith.constant 0 : i32
        %dma_wait3A_86 = tpu.memref_slice %arg4[%dma_wait3A_85] : memref<32000000xf32, #tpu.memory_space<hbm>> -> memref<4096xf32, #tpu.memory_space<hbm>>
        %dma_wait3A_87 = arith.constant 0 : i32
        %dma_wait3A_88 = tpu.memref_slice %arg4[%dma_wait3A_87] : memref<32000000xf32, #tpu.memory_space<hbm>> -> memref<4096xf32, #tpu.memory_space<hbm>>
        tpu.wait_dma2 semaphore(%arg11 : memref<!tpu.dma_semaphore, #tpu.memory_space<semaphore_mem>>) src(%arg7 : memref<4096xf32, #tpu.memory_space<vmem>>) dst(%dma_wait3A_88 : memref<4096xf32, #tpu.memory_space<hbm>>)
      } else {
      }
      %parallel_loop3A = arith.constant 0 : i32
      %parallel_loop3A_51 = arith.constant 32 : i32
      %parallel_loop3A_52 = arith.constant 1 : i32
      scf.for %parallel_loop3A_85 = %parallel_loop3A to %parallel_loop3A_51 step %parallel_loop3A_52  : i32 {
        %parallel_loop3A_86 = arith.index_cast %parallel_loop3A_85 : i32 to index
        %parallel_loop3A_87 = arith.constant 0 : index
        %parallel_loop3A_88 = tpu.vector_load %arg5[%parallel_loop3A_86, %parallel_loop3A_87] {strides = array<i32>} : memref<32x128xf32, #tpu.memory_space<vmem>>, vector<16xf32>,
        %parallel_loop3A_89 = arith.constant 0 : i32
        %parallel_loop3A_90 = vector.broadcast %parallel_loop3A_89 : i32 to vector<16xi32>
        %parallel_loop3A_91 = arith.addi %mul3A_9, %parallel_loop3A_90 : vector<16xi32>
        %parallel_loop3A_92 = vector.broadcast %parallel_loop3A_85 : i32 to vector<16xi32>
        %parallel_loop3A_93 = arith.addi %parallel_loop3A_91, %parallel_loop3A_92 : vector<16xi32>
        tpu.vector_store_idx %arg7[%parallel_loop3A_93], %parallel_loop3A_88 : memref<4096xf32, #tpu.memory_space<vmem>>[vector<16xi32>], vector<16xf32>,
        %parallel_loop3A_94 = arith.index_cast %parallel_loop3A_85 : i32 to index
        %parallel_loop3A_95 = arith.constant 16 : index
        %parallel_loop3A_96 = tpu.vector_load %arg5[%parallel_loop3A_94, %parallel_loop3A_95] {strides = array<i32>} : memref<32x128xf32, #tpu.memory_space<vmem>>, vector<16xf32>,
        %parallel_loop3A_97 = arith.constant 512 : i32
        %parallel_loop3A_98 = vector.broadcast %parallel_loop3A_97 : i32 to vector<16xi32>
        %parallel_loop3A_99 = arith.addi %mul3A_9, %parallel_loop3A_98 : vector<16xi32>
        %parallel_loop3A_100 = vector.broadcast %parallel_loop3A_85 : i32 to vector<16xi32>
        %parallel_loop3A_101 = arith.addi %parallel_loop3A_99, %parallel_loop3A_100 : vector<16xi32>
        tpu.vector_store_idx %arg7[%parallel_loop3A_101], %parallel_loop3A_96 : memref<4096xf32, #tpu.memory_space<vmem>>[vector<16xi32>], vector<16xf32>,
        %parallel_loop3A_102 = arith.index_cast %parallel_loop3A_85 : i32 to index
        %parallel_loop3A_103 = arith.constant 32 : index
        %parallel_loop3A_104 = tpu.vector_load %arg5[%parallel_loop3A_102, %parallel_loop3A_103] {strides = array<i32>} : memref<32x128xf32, #tpu.memory_space<vmem>>, vector<16xf32>,
        %parallel_loop3A_105 = arith.constant 1024 : i32
        %parallel_loop3A_106 = vector.broadcast %parallel_loop3A_105 : i32 to vector<16xi32>
        %parallel_loop3A_107 = arith.addi %mul3A_9, %parallel_loop3A_106 : vector<16xi32>
        %parallel_loop3A_108 = vector.broadcast %parallel_loop3A_85 : i32 to vector<16xi32>
        %parallel_loop3A_109 = arith.addi %parallel_loop3A_107, %parallel_loop3A_108 : vector<16xi32>
        tpu.vector_store_idx %arg7[%parallel_loop3A_109], %parallel_loop3A_104 : memref<4096xf32, #tpu.memory_space<vmem>>[vector<16xi32>], vector<16xf32>,
        %parallel_loop3A_110 = arith.index_cast %parallel_loop3A_85 : i32 to index
        %parallel_loop3A_111 = arith.constant 48 : index
        %parallel_loop3A_112 = tpu.vector_load %arg5[%parallel_loop3A_110, %parallel_loop3A_111] {strides = array<i32>} : memref<32x128xf32, #tpu.memory_space<vmem>>, vector<16xf32>,
        %parallel_loop3A_113 = arith.constant 1536 : i32
        %parallel_loop3A_114 = vector.broadcast %parallel_loop3A_113 : i32 to vector<16xi32>
        %parallel_loop3A_115 = arith.addi %mul3A_9, %parallel_loop3A_114 : vector<16xi32>
        %parallel_loop3A_116 = vector.broadcast %parallel_loop3A_85 : i32 to vector<16xi32>
        %parallel_loop3A_117 = arith.addi %parallel_loop3A_115, %parallel_loop3A_116 : vector<16xi32>
        tpu.vector_store_idx %arg7[%parallel_loop3A_117], %parallel_loop3A_112 : memref<4096xf32, #tpu.memory_space<vmem>>[vector<16xi32>], vector<16xf32>,
        %parallel_loop3A_118 = arith.index_cast %parallel_loop3A_85 : i32 to index
        %parallel_loop3A_119 = arith.constant 64 : index
        %parallel_loop3A_120 = tpu.vector_load %arg5[%parallel_loop3A_118, %parallel_loop3A_119] {strides = array<i32>} : memref<32x128xf32, #tpu.memory_space<vmem>>, vector<16xf32>,
        %parallel_loop3A_121 = arith.constant 2048 : i32
        %parallel_loop3A_122 = vector.broadcast %parallel_loop3A_121 : i32 to vector<16xi32>
        %parallel_loop3A_123 = arith.addi %mul3A_9, %parallel_loop3A_122 : vector<16xi32>
        %parallel_loop3A_124 = vector.broadcast %parallel_loop3A_85 : i32 to vector<16xi32>
        %parallel_loop3A_125 = arith.addi %parallel_loop3A_123, %parallel_loop3A_124 : vector<16xi32>
        tpu.vector_store_idx %arg7[%parallel_loop3A_125], %parallel_loop3A_120 : memref<4096xf32, #tpu.memory_space<vmem>>[vector<16xi32>], vector<16xf32>,
        %parallel_loop3A_126 = arith.index_cast %parallel_loop3A_85 : i32 to index
        %parallel_loop3A_127 = arith.constant 80 : index
        %parallel_loop3A_128 = tpu.vector_load %arg5[%parallel_loop3A_126, %parallel_loop3A_127] {strides = array<i32>} : memref<32x128xf32, #tpu.memory_space<vmem>>, vector<16xf32>,
        %parallel_loop3A_129 = arith.constant 2560 : i32
        %parallel_loop3A_130 = vector.broadcast %parallel_loop3A_129 : i32 to vector<16xi32>
        %parallel_loop3A_131 = arith.addi %mul3A_9, %parallel_loop3A_130 : vector<16xi32>
        %parallel_loop3A_132 = vector.broadcast %parallel_loop3A_85 : i32 to vector<16xi32>
        %parallel_loop3A_133 = arith.addi %parallel_loop3A_131, %parallel_loop3A_132 : vector<16xi32>
        tpu.vector_store_idx %arg7[%parallel_loop3A_133], %parallel_loop3A_128 : memref<4096xf32, #tpu.memory_space<vmem>>[vector<16xi32>], vector<16xf32>,
        %parallel_loop3A_134 = arith.index_cast %parallel_loop3A_85 : i32 to index
        %parallel_loop3A_135 = arith.constant 96 : index
        %parallel_loop3A_136 = tpu.vector_load %arg5[%parallel_loop3A_134, %parallel_loop3A_135] {strides = array<i32>} : memref<32x128xf32, #tpu.memory_space<vmem>>, vector<16xf32>,
        %parallel_loop3A_137 = arith.constant 3072 : i32
        %parallel_loop3A_138 = vector.broadcast %parallel_loop3A_137 : i32 to vector<16xi32>
        %parallel_loop3A_139 = arith.addi %mul3A_9, %parallel_loop3A_138 : vector<16xi32>
        %parallel_loop3A_140 = vector.broadcast %parallel_loop3A_85 : i32 to vector<16xi32>
        %parallel_loop3A_141 = arith.addi %parallel_loop3A_139, %parallel_loop3A_140 : vector<16xi32>
        tpu.vector_store_idx %arg7[%parallel_loop3A_141], %parallel_loop3A_136 : memref<4096xf32, #tpu.memory_space<vmem>>[vector<16xi32>], vector<16xf32>,
        %parallel_loop3A_142 = arith.index_cast %parallel_loop3A_85 : i32 to index
        %parallel_loop3A_143 = arith.constant 112 : index
        %parallel_loop3A_144 = tpu.vector_load %arg5[%parallel_loop3A_142, %parallel_loop3A_143] {strides = array<i32>} : memref<32x128xf32, #tpu.memory_space<vmem>>, vector<16xf32>,
        %parallel_loop3A_145 = arith.constant 3584 : i32
        %parallel_loop3A_146 = vector.broadcast %parallel_loop3A_145 : i32 to vector<16xi32>
        %parallel_loop3A_147 = arith.addi %mul3A_9, %parallel_loop3A_146 : vector<16xi32>
        %parallel_loop3A_148 = vector.broadcast %parallel_loop3A_85 : i32 to vector<16xi32>
        %parallel_loop3A_149 = arith.addi %parallel_loop3A_147, %parallel_loop3A_148 : vector<16xi32>
        tpu.vector_store_idx %arg7[%parallel_loop3A_149], %parallel_loop3A_144 : memref<4096xf32, #tpu.memory_space<vmem>>[vector<16xi32>], vector<16xf32>,
      } {sc.loop_unroll_factor = 8 : i64, sc.parallel_access}
      %mul3A_53 = arith.constant 4096 : i32
      %mul3A_54 = arith.muli %mul3A_33, %mul3A_53 : i32
      %multiple_of3A_55 = tpu.assume_multiple %mul3A_54, 4096 : i32
      %dma_start3A_56 = tpu.memref_slice %arg4[%multiple_of3A_55] : memref<32000000xf32, #tpu.memory_space<hbm>> -> memref<4096xf32, #tpu.memory_space<hbm>>
      %dma_start3A_57 = tpu.memref_slice %arg4[%multiple_of3A_55] : memref<32000000xf32, #tpu.memory_space<hbm>> -> memref<4096xf32, #tpu.memory_space<hbm>>
      tpu.enqueue_dma source(%arg7 : memref<4096xf32, #tpu.memory_space<vmem>>) target(%dma_start3A_57 : memref<4096xf32, #tpu.memory_space<hbm>>) target_semaphore(%arg11 : memref<!tpu.dma_semaphore, #tpu.memory_space<semaphore_mem>>)
      %add3A_58 = arith.constant 1 : i32
      %add3A_59 = arith.addi %while3A_30, %add3A_58 : i32
      %lt3A_60 = arith.cmpi slt, %add3A_59, %select_n3A : i32
      %convert_element_type3A_61 = arith.extui %lt3A_60 : i1 to i32
      %cond3A_62 = arith.constant 0 : i32
      %cond3A_63 = arith.cmpi ne, %convert_element_type3A_61, %cond3A_62 : i32
      scf.if %cond3A_63 {
        %add3A_85 = arith.constant 2 : i32
        %add3A_86 = arith.addi %mul3A_33, %add3A_85 : i32
        %mul3A_87 = arith.constant 128 : i32
        %mul3A_88 = arith.muli %add3A_86, %mul3A_87 : i32
        %multiple_of3A_89 = tpu.assume_multiple %mul3A_88, 128 : i32
        %dma_start3A_90 = arith.constant 0 : i32
        %dma_start3A_91 = tpu.memref_slice %arg2[%dma_start3A_90, %multiple_of3A_89] : memref<32x1000000xf32, #tpu.memory_space<hbm>> -> memref<32x128xf32, #tpu.memory_space<hbm>>
        %dma_start3A_92 = arith.constant 0 : i32
        %dma_start3A_93 = tpu.memref_slice %arg2[%dma_start3A_92, %multiple_of3A_89] : memref<32x1000000xf32, #tpu.memory_space<hbm>> -> memref<32x128xf32, #tpu.memory_space<hbm>>
        tpu.enqueue_dma source(%dma_start3A_93 : memref<32x128xf32, #tpu.memory_space<hbm>>) target(%arg5 : memref<32x128xf32, #tpu.memory_space<vmem>>) target_semaphore(%arg9 : memref<!tpu.dma_semaphore, #tpu.memory_space<semaphore_mem>>)
      } else {
      }
      %dma_wait3A_64 = arith.constant 0 : i32
      %dma_wait3A_65 = arith.constant 0 : i32
      %dma_wait3A_66 = tpu.memref_slice %arg2[%dma_wait3A_64, %dma_wait3A_65] : memref<32x1000000xf32, #tpu.memory_space<hbm>> -> memref<32x128xf32, #tpu.memory_space<hbm>>
      %dma_wait3A_67 = arith.constant 0 : i32
      %dma_wait3A_68 = arith.constant 0 : i32
      %dma_wait3A_69 = tpu.memref_slice %arg2[%dma_wait3A_67, %dma_wait3A_68] : memref<32x1000000xf32, #tpu.memory_space<hbm>> -> memref<32x128xf32, #tpu.memory_space<hbm>>
      tpu.wait_dma2 semaphore(%arg10 : memref<!tpu.dma_semaphore, #tpu.memory_space<semaphore_mem>>) src(%dma_wait3A_69 : memref<32x128xf32, #tpu.memory_space<hbm>>) dst(%arg6 : memref<32x128xf32, #tpu.memory_space<vmem>>)
      %gt3A_70 = arith.constant 0 : i32
      %gt3A_71 = arith.cmpi sgt, %while3A_30, %gt3A_70 : i32
      %convert_element_type3A_72 = arith.extui %gt3A_71 : i1 to i32
      %cond3A_73 = arith.constant 0 : i32
      %cond3A_74 = arith.cmpi ne, %convert_element_type3A_72, %cond3A_73 : i32
      scf.if %cond3A_74 {
        %dma_wait3A_85 = arith.constant 0 : i32
        %dma_wait3A_86 = tpu.memref_slice %arg4[%dma_wait3A_85] : memref<32000000xf32, #tpu.memory_space<hbm>> -> memref<4096xf32, #tpu.memory_space<hbm>>
        %dma_wait3A_87 = arith.constant 0 : i32
        %dma_wait3A_88 = tpu.memref_slice %arg4[%dma_wait3A_87] : memref<32000000xf32, #tpu.memory_space<hbm>> -> memref<4096xf32, #tpu.memory_space<hbm>>
        tpu.wait_dma2 semaphore(%arg12 : memref<!tpu.dma_semaphore, #tpu.memory_space<semaphore_mem>>) src(%arg8 : memref<4096xf32, #tpu.memory_space<vmem>>) dst(%dma_wait3A_88 : memref<4096xf32, #tpu.memory_space<hbm>>)
      } else {
      }
      %parallel_loop3A_75 = arith.constant 0 : i32
      %parallel_loop3A_76 = arith.constant 32 : i32
      %parallel_loop3A_77 = arith.constant 1 : i32
      scf.for %parallel_loop3A_85 = %parallel_loop3A_75 to %parallel_loop3A_76 step %parallel_loop3A_77  : i32 {
        %parallel_loop3A_86 = arith.index_cast %parallel_loop3A_85 : i32 to index
        %parallel_loop3A_87 = arith.constant 0 : index
        %parallel_loop3A_88 = tpu.vector_load %arg6[%parallel_loop3A_86, %parallel_loop3A_87] {strides = array<i32>} : memref<32x128xf32, #tpu.memory_space<vmem>>, vector<16xf32>,
        %parallel_loop3A_89 = arith.constant 0 : i32
        %parallel_loop3A_90 = vector.broadcast %parallel_loop3A_89 : i32 to vector<16xi32>
        %parallel_loop3A_91 = arith.addi %mul3A_9, %parallel_loop3A_90 : vector<16xi32>
        %parallel_loop3A_92 = vector.broadcast %parallel_loop3A_85 : i32 to vector<16xi32>
        %parallel_loop3A_93 = arith.addi %parallel_loop3A_91, %parallel_loop3A_92 : vector<16xi32>
        tpu.vector_store_idx %arg8[%parallel_loop3A_93], %parallel_loop3A_88 : memref<4096xf32, #tpu.memory_space<vmem>>[vector<16xi32>], vector<16xf32>,
        %parallel_loop3A_94 = arith.index_cast %parallel_loop3A_85 : i32 to index
        %parallel_loop3A_95 = arith.constant 16 : index
        %parallel_loop3A_96 = tpu.vector_load %arg6[%parallel_loop3A_94, %parallel_loop3A_95] {strides = array<i32>} : memref<32x128xf32, #tpu.memory_space<vmem>>, vector<16xf32>,
        %parallel_loop3A_97 = arith.constant 512 : i32
        %parallel_loop3A_98 = vector.broadcast %parallel_loop3A_97 : i32 to vector<16xi32>
        %parallel_loop3A_99 = arith.addi %mul3A_9, %parallel_loop3A_98 : vector<16xi32>
        %parallel_loop3A_100 = vector.broadcast %parallel_loop3A_85 : i32 to vector<16xi32>
        %parallel_loop3A_101 = arith.addi %parallel_loop3A_99, %parallel_loop3A_100 : vector<16xi32>
        tpu.vector_store_idx %arg8[%parallel_loop3A_101], %parallel_loop3A_96 : memref<4096xf32, #tpu.memory_space<vmem>>[vector<16xi32>], vector<16xf32>,
        %parallel_loop3A_102 = arith.index_cast %parallel_loop3A_85 : i32 to index
        %parallel_loop3A_103 = arith.constant 32 : index
        %parallel_loop3A_104 = tpu.vector_load %arg6[%parallel_loop3A_102, %parallel_loop3A_103] {strides = array<i32>} : memref<32x128xf32, #tpu.memory_space<vmem>>, vector<16xf32>,
        %parallel_loop3A_105 = arith.constant 1024 : i32
        %parallel_loop3A_106 = vector.broadcast %parallel_loop3A_105 : i32 to vector<16xi32>
        %parallel_loop3A_107 = arith.addi %mul3A_9, %parallel_loop3A_106 : vector<16xi32>
        %parallel_loop3A_108 = vector.broadcast %parallel_loop3A_85 : i32 to vector<16xi32>
        %parallel_loop3A_109 = arith.addi %parallel_loop3A_107, %parallel_loop3A_108 : vector<16xi32>
        tpu.vector_store_idx %arg8[%parallel_loop3A_109], %parallel_loop3A_104 : memref<4096xf32, #tpu.memory_space<vmem>>[vector<16xi32>], vector<16xf32>,
        %parallel_loop3A_110 = arith.index_cast %parallel_loop3A_85 : i32 to index
        %parallel_loop3A_111 = arith.constant 48 : index
        %parallel_loop3A_112 = tpu.vector_load %arg6[%parallel_loop3A_110, %parallel_loop3A_111] {strides = array<i32>} : memref<32x128xf32, #tpu.memory_space<vmem>>, vector<16xf32>,
        %parallel_loop3A_113 = arith.constant 1536 : i32
        %parallel_loop3A_114 = vector.broadcast %parallel_loop3A_113 : i32 to vector<16xi32>
        %parallel_loop3A_115 = arith.addi %mul3A_9, %parallel_loop3A_114 : vector<16xi32>
        %parallel_loop3A_116 = vector.broadcast %parallel_loop3A_85 : i32 to vector<16xi32>
        %parallel_loop3A_117 = arith.addi %parallel_loop3A_115, %parallel_loop3A_116 : vector<16xi32>
        tpu.vector_store_idx %arg8[%parallel_loop3A_117], %parallel_loop3A_112 : memref<4096xf32, #tpu.memory_space<vmem>>[vector<16xi32>], vector<16xf32>,
        %parallel_loop3A_118 = arith.index_cast %parallel_loop3A_85 : i32 to index
        %parallel_loop3A_119 = arith.constant 64 : index
        %parallel_loop3A_120 = tpu.vector_load %arg6[%parallel_loop3A_118, %parallel_loop3A_119] {strides = array<i32>} : memref<32x128xf32, #tpu.memory_space<vmem>>, vector<16xf32>,
        %parallel_loop3A_121 = arith.constant 2048 : i32
        %parallel_loop3A_122 = vector.broadcast %parallel_loop3A_121 : i32 to vector<16xi32>
        %parallel_loop3A_123 = arith.addi %mul3A_9, %parallel_loop3A_122 : vector<16xi32>
        %parallel_loop3A_124 = vector.broadcast %parallel_loop3A_85 : i32 to vector<16xi32>
        %parallel_loop3A_125 = arith.addi %parallel_loop3A_123, %parallel_loop3A_124 : vector<16xi32>
        tpu.vector_store_idx %arg8[%parallel_loop3A_125], %parallel_loop3A_120 : memref<4096xf32, #tpu.memory_space<vmem>>[vector<16xi32>], vector<16xf32>,
        %parallel_loop3A_126 = arith.index_cast %parallel_loop3A_85 : i32 to index
        %parallel_loop3A_127 = arith.constant 80 : index
        %parallel_loop3A_128 = tpu.vector_load %arg6[%parallel_loop3A_126, %parallel_loop3A_127] {strides = array<i32>} : memref<32x128xf32, #tpu.memory_space<vmem>>, vector<16xf32>,
        %parallel_loop3A_129 = arith.constant 2560 : i32
        %parallel_loop3A_130 = vector.broadcast %parallel_loop3A_129 : i32 to vector<16xi32>
        %parallel_loop3A_131 = arith.addi %mul3A_9, %parallel_loop3A_130 : vector<16xi32>
        %parallel_loop3A_132 = vector.broadcast %parallel_loop3A_85 : i32 to vector<16xi32>
        %parallel_loop3A_133 = arith.addi %parallel_loop3A_131, %parallel_loop3A_132 : vector<16xi32>
        tpu.vector_store_idx %arg8[%parallel_loop3A_133], %parallel_loop3A_128 : memref<4096xf32, #tpu.memory_space<vmem>>[vector<16xi32>], vector<16xf32>,
        %parallel_loop3A_134 = arith.index_cast %parallel_loop3A_85 : i32 to index
        %parallel_loop3A_135 = arith.constant 96 : index
        %parallel_loop3A_136 = tpu.vector_load %arg6[%parallel_loop3A_134, %parallel_loop3A_135] {strides = array<i32>} : memref<32x128xf32, #tpu.memory_space<vmem>>, vector<16xf32>,
        %parallel_loop3A_137 = arith.constant 3072 : i32
        %parallel_loop3A_138 = vector.broadcast %parallel_loop3A_137 : i32 to vector<16xi32>
        %parallel_loop3A_139 = arith.addi %mul3A_9, %parallel_loop3A_138 : vector<16xi32>
        %parallel_loop3A_140 = vector.broadcast %parallel_loop3A_85 : i32 to vector<16xi32>
        %parallel_loop3A_141 = arith.addi %parallel_loop3A_139, %parallel_loop3A_140 : vector<16xi32>
        tpu.vector_store_idx %arg8[%parallel_loop3A_141], %parallel_loop3A_136 : memref<4096xf32, #tpu.memory_space<vmem>>[vector<16xi32>], vector<16xf32>,
        %parallel_loop3A_142 = arith.index_cast %parallel_loop3A_85 : i32 to index
        %parallel_loop3A_143 = arith.constant 112 : index
        %parallel_loop3A_144 = tpu.vector_load %arg6[%parallel_loop3A_142, %parallel_loop3A_143] {strides = array<i32>} : memref<32x128xf32, #tpu.memory_space<vmem>>, vector<16xf32>,
        %parallel_loop3A_145 = arith.constant 3584 : i32
        %parallel_loop3A_146 = vector.broadcast %parallel_loop3A_145 : i32 to vector<16xi32>
        %parallel_loop3A_147 = arith.addi %mul3A_9, %parallel_loop3A_146 : vector<16xi32>
        %parallel_loop3A_148 = vector.broadcast %parallel_loop3A_85 : i32 to vector<16xi32>
        %parallel_loop3A_149 = arith.addi %parallel_loop3A_147, %parallel_loop3A_148 : vector<16xi32>
        tpu.vector_store_idx %arg8[%parallel_loop3A_149], %parallel_loop3A_144 : memref<4096xf32, #tpu.memory_space<vmem>>[vector<16xi32>], vector<16xf32>,
      } {sc.loop_unroll_factor = 8 : i64, sc.parallel_access}
      %add3A_78 = arith.constant 1 : i32
      %add3A_79 = arith.addi %mul3A_33, %add3A_78 : i32
      %mul3A_80 = arith.constant 4096 : i32
      %mul3A_81 = arith.muli %add3A_79, %mul3A_80 : i32
      %multiple_of3A_82 = tpu.assume_multiple %mul3A_81, 4096 : i32
      %dma_start3A_83 = tpu.memref_slice %arg4[%multiple_of3A_82] : memref<32000000xf32, #tpu.memory_space<hbm>> -> memref<4096xf32, #tpu.memory_space<hbm>>
      %dma_start3A_84 = tpu.memref_slice %arg4[%multiple_of3A_82] : memref<32000000xf32, #tpu.memory_space<hbm>> -> memref<4096xf32, #tpu.memory_space<hbm>>
      tpu.enqueue_dma source(%arg8 : memref<4096xf32, #tpu.memory_space<vmem>>) target(%dma_start3A_84 : memref<4096xf32, #tpu.memory_space<hbm>>) target_semaphore(%arg12 : memref<!tpu.dma_semaphore, #tpu.memory_space<semaphore_mem>>)
    }
    %while3A_20 = arith.constant 1 : i32
    scf.for %while3A_30 = %while3A_18 to %while3A_14 step %while3A_20  : i32 {
      %add3A_31 = arith.addi %add3A_6, %while3A_30 : i32
      %mul3A_32 = arith.constant 2 : i32
      %mul3A_33 = arith.muli %mul3A_32, %add3A_31 : i32
      %add3A_34 = arith.constant 1 : i32
      %add3A_35 = arith.addi %mul3A_33, %add3A_34 : i32
      %mul3A_36 = arith.constant 128 : i32
      %mul3A_37 = arith.muli %add3A_35, %mul3A_36 : i32
      %multiple_of3A = tpu.assume_multiple %mul3A_37, 128 : i32
      %dma_start3A = arith.constant 0 : i32
      %dma_start3A_38 = tpu.memref_slice %arg2[%dma_start3A, %multiple_of3A] : memref<32x1000000xf32, #tpu.memory_space<hbm>> -> memref<32x128xf32, #tpu.memory_space<hbm>>
      %dma_start3A_39 = arith.constant 0 : i32
      %dma_start3A_40 = tpu.memref_slice %arg2[%dma_start3A_39, %multiple_of3A] : memref<32x1000000xf32, #tpu.memory_space<hbm>> -> memref<32x128xf32, #tpu.memory_space<hbm>>
      tpu.enqueue_dma source(%dma_start3A_40 : memref<32x128xf32, #tpu.memory_space<hbm>>) target(%arg6 : memref<32x128xf32, #tpu.memory_space<vmem>>) target_semaphore(%arg10 : memref<!tpu.dma_semaphore, #tpu.memory_space<semaphore_mem>>)
      %dma_wait3A = arith.constant 0 : i32
      %dma_wait3A_41 = arith.constant 0 : i32
      %dma_wait3A_42 = tpu.memref_slice %arg2[%dma_wait3A, %dma_wait3A_41] : memref<32x1000000xf32, #tpu.memory_space<hbm>> -> memref<32x128xf32, #tpu.memory_space<hbm>>
      %dma_wait3A_43 = arith.constant 0 : i32
      %dma_wait3A_44 = arith.constant 0 : i32
      %dma_wait3A_45 = tpu.memref_slice %arg2[%dma_wait3A_43, %dma_wait3A_44] : memref<32x1000000xf32, #tpu.memory_space<hbm>> -> memref<32x128xf32, #tpu.memory_space<hbm>>
      tpu.wait_dma2 semaphore(%arg9 : memref<!tpu.dma_semaphore, #tpu.memory_space<semaphore_mem>>) src(%dma_wait3A_45 : memref<32x128xf32, #tpu.memory_space<hbm>>) dst(%arg5 : memref<32x128xf32, #tpu.memory_space<vmem>>)
      %gt3A_46 = arith.constant 0 : i32
      %gt3A_47 = arith.cmpi sgt, %while3A_30, %gt3A_46 : i32
      %convert_element_type3A_48 = arith.extui %gt3A_47 : i1 to i32
      %cond3A_49 = arith.constant 0 : i32
      %cond3A_50 = arith.cmpi ne, %convert_element_type3A_48, %cond3A_49 : i32
      scf.if %cond3A_50 {
        %dma_wait3A_85 = arith.constant 0 : i32
        %dma_wait3A_86 = tpu.memref_slice %arg4[%dma_wait3A_85] : memref<32000000xf32, #tpu.memory_space<hbm>> -> memref<4096xf32, #tpu.memory_space<hbm>>
        %dma_wait3A_87 = arith.constant 0 : i32
        %dma_wait3A_88 = tpu.memref_slice %arg4[%dma_wait3A_87] : memref<32000000xf32, #tpu.memory_space<hbm>> -> memref<4096xf32, #tpu.memory_space<hbm>>
        tpu.wait_dma2 semaphore(%arg11 : memref<!tpu.dma_semaphore, #tpu.memory_space<semaphore_mem>>) src(%arg7 : memref<4096xf32, #tpu.memory_space<vmem>>) dst(%dma_wait3A_88 : memref<4096xf32, #tpu.memory_space<hbm>>)
      } else {
      }
      %parallel_loop3A = arith.constant 0 : i32
      %parallel_loop3A_51 = arith.constant 32 : i32
      %parallel_loop3A_52 = arith.constant 1 : i32
      scf.for %parallel_loop3A_85 = %parallel_loop3A to %parallel_loop3A_51 step %parallel_loop3A_52  : i32 {
        %parallel_loop3A_86 = arith.index_cast %parallel_loop3A_85 : i32 to index
        %parallel_loop3A_87 = arith.constant 0 : index
        %parallel_loop3A_88 = tpu.vector_load %arg5[%parallel_loop3A_86, %parallel_loop3A_87] {strides = array<i32>} : memref<32x128xf32, #tpu.memory_space<vmem>>, vector<16xf32>,
        %parallel_loop3A_89 = arith.constant 0 : i32
        %parallel_loop3A_90 = vector.broadcast %parallel_loop3A_89 : i32 to vector<16xi32>
        %parallel_loop3A_91 = arith.addi %mul3A_9, %parallel_loop3A_90 : vector<16xi32>
        %parallel_loop3A_92 = vector.broadcast %parallel_loop3A_85 : i32 to vector<16xi32>
        %parallel_loop3A_93 = arith.addi %parallel_loop3A_91, %parallel_loop3A_92 : vector<16xi32>
        tpu.vector_store_idx %arg7[%parallel_loop3A_93], %parallel_loop3A_88 : memref<4096xf32, #tpu.memory_space<vmem>>[vector<16xi32>], vector<16xf32>,
        %parallel_loop3A_94 = arith.index_cast %parallel_loop3A_85 : i32 to index
        %parallel_loop3A_95 = arith.constant 16 : index
        %parallel_loop3A_96 = tpu.vector_load %arg5[%parallel_loop3A_94, %parallel_loop3A_95] {strides = array<i32>} : memref<32x128xf32, #tpu.memory_space<vmem>>, vector<16xf32>,
        %parallel_loop3A_97 = arith.constant 512 : i32
        %parallel_loop3A_98 = vector.broadcast %parallel_loop3A_97 : i32 to vector<16xi32>
        %parallel_loop3A_99 = arith.addi %mul3A_9, %parallel_loop3A_98 : vector<16xi32>
        %parallel_loop3A_100 = vector.broadcast %parallel_loop3A_85 : i32 to vector<16xi32>
        %parallel_loop3A_101 = arith.addi %parallel_loop3A_99, %parallel_loop3A_100 : vector<16xi32>
        tpu.vector_store_idx %arg7[%parallel_loop3A_101], %parallel_loop3A_96 : memref<4096xf32, #tpu.memory_space<vmem>>[vector<16xi32>], vector<16xf32>,
        %parallel_loop3A_102 = arith.index_cast %parallel_loop3A_85 : i32 to index
        %parallel_loop3A_103 = arith.constant 32 : index
        %parallel_loop3A_104 = tpu.vector_load %arg5[%parallel_loop3A_102, %parallel_loop3A_103] {strides = array<i32>} : memref<32x128xf32, #tpu.memory_space<vmem>>, vector<16xf32>,
        %parallel_loop3A_105 = arith.constant 1024 : i32
        %parallel_loop3A_106 = vector.broadcast %parallel_loop3A_105 : i32 to vector<16xi32>
        %parallel_loop3A_107 = arith.addi %mul3A_9, %parallel_loop3A_106 : vector<16xi32>
        %parallel_loop3A_108 = vector.broadcast %parallel_loop3A_85 : i32 to vector<16xi32>
        %parallel_loop3A_109 = arith.addi %parallel_loop3A_107, %parallel_loop3A_108 : vector<16xi32>
        tpu.vector_store_idx %arg7[%parallel_loop3A_109], %parallel_loop3A_104 : memref<4096xf32, #tpu.memory_space<vmem>>[vector<16xi32>], vector<16xf32>,
        %parallel_loop3A_110 = arith.index_cast %parallel_loop3A_85 : i32 to index
        %parallel_loop3A_111 = arith.constant 48 : index
        %parallel_loop3A_112 = tpu.vector_load %arg5[%parallel_loop3A_110, %parallel_loop3A_111] {strides = array<i32>} : memref<32x128xf32, #tpu.memory_space<vmem>>, vector<16xf32>,
        %parallel_loop3A_113 = arith.constant 1536 : i32
        %parallel_loop3A_114 = vector.broadcast %parallel_loop3A_113 : i32 to vector<16xi32>
        %parallel_loop3A_115 = arith.addi %mul3A_9, %parallel_loop3A_114 : vector<16xi32>
        %parallel_loop3A_116 = vector.broadcast %parallel_loop3A_85 : i32 to vector<16xi32>
        %parallel_loop3A_117 = arith.addi %parallel_loop3A_115, %parallel_loop3A_116 : vector<16xi32>
        tpu.vector_store_idx %arg7[%parallel_loop3A_117], %parallel_loop3A_112 : memref<4096xf32, #tpu.memory_space<vmem>>[vector<16xi32>], vector<16xf32>,
        %parallel_loop3A_118 = arith.index_cast %parallel_loop3A_85 : i32 to index
        %parallel_loop3A_119 = arith.constant 64 : index
        %parallel_loop3A_120 = tpu.vector_load %arg5[%parallel_loop3A_118, %parallel_loop3A_119] {strides = array<i32>} : memref<32x128xf32, #tpu.memory_space<vmem>>, vector<16xf32>,
        %parallel_loop3A_121 = arith.constant 2048 : i32
        %parallel_loop3A_122 = vector.broadcast %parallel_loop3A_121 : i32 to vector<16xi32>
        %parallel_loop3A_123 = arith.addi %mul3A_9, %parallel_loop3A_122 : vector<16xi32>
        %parallel_loop3A_124 = vector.broadcast %parallel_loop3A_85 : i32 to vector<16xi32>
        %parallel_loop3A_125 = arith.addi %parallel_loop3A_123, %parallel_loop3A_124 : vector<16xi32>
        tpu.vector_store_idx %arg7[%parallel_loop3A_125], %parallel_loop3A_120 : memref<4096xf32, #tpu.memory_space<vmem>>[vector<16xi32>], vector<16xf32>,
        %parallel_loop3A_126 = arith.index_cast %parallel_loop3A_85 : i32 to index
        %parallel_loop3A_127 = arith.constant 80 : index
        %parallel_loop3A_128 = tpu.vector_load %arg5[%parallel_loop3A_126, %parallel_loop3A_127] {strides = array<i32>} : memref<32x128xf32, #tpu.memory_space<vmem>>, vector<16xf32>,
        %parallel_loop3A_129 = arith.constant 2560 : i32
        %parallel_loop3A_130 = vector.broadcast %parallel_loop3A_129 : i32 to vector<16xi32>
        %parallel_loop3A_131 = arith.addi %mul3A_9, %parallel_loop3A_130 : vector<16xi32>
        %parallel_loop3A_132 = vector.broadcast %parallel_loop3A_85 : i32 to vector<16xi32>
        %parallel_loop3A_133 = arith.addi %parallel_loop3A_131, %parallel_loop3A_132 : vector<16xi32>
        tpu.vector_store_idx %arg7[%parallel_loop3A_133], %parallel_loop3A_128 : memref<4096xf32, #tpu.memory_space<vmem>>[vector<16xi32>], vector<16xf32>,
        %parallel_loop3A_134 = arith.index_cast %parallel_loop3A_85 : i32 to index
        %parallel_loop3A_135 = arith.constant 96 : index
        %parallel_loop3A_136 = tpu.vector_load %arg5[%parallel_loop3A_134, %parallel_loop3A_135] {strides = array<i32>} : memref<32x128xf32, #tpu.memory_space<vmem>>, vector<16xf32>,
        %parallel_loop3A_137 = arith.constant 3072 : i32
        %parallel_loop3A_138 = vector.broadcast %parallel_loop3A_137 : i32 to vector<16xi32>
        %parallel_loop3A_139 = arith.addi %mul3A_9, %parallel_loop3A_138 : vector<16xi32>
        %parallel_loop3A_140 = vector.broadcast %parallel_loop3A_85 : i32 to vector<16xi32>
        %parallel_loop3A_141 = arith.addi %parallel_loop3A_139, %parallel_loop3A_140 : vector<16xi32>
        tpu.vector_store_idx %arg7[%parallel_loop3A_141], %parallel_loop3A_136 : memref<4096xf32, #tpu.memory_space<vmem>>[vector<16xi32>], vector<16xf32>,
        %parallel_loop3A_142 = arith.index_cast %parallel_loop3A_85 : i32 to index
        %parallel_loop3A_143 = arith.constant 112 : index
        %parallel_loop3A_144 = tpu.vector_load %arg5[%parallel_loop3A_142, %parallel_loop3A_143] {strides = array<i32>} : memref<32x128xf32, #tpu.memory_space<vmem>>, vector<16xf32>,
        %parallel_loop3A_145 = arith.constant 3584 : i32
        %parallel_loop3A_146 = vector.broadcast %parallel_loop3A_145 : i32 to vector<16xi32>
        %parallel_loop3A_147 = arith.addi %mul3A_9, %parallel_loop3A_146 : vector<16xi32>
        %parallel_loop3A_148 = vector.broadcast %parallel_loop3A_85 : i32 to vector<16xi32>
        %parallel_loop3A_149 = arith.addi %parallel_loop3A_147, %parallel_loop3A_148 : vector<16xi32>
        tpu.vector_store_idx %arg7[%parallel_loop3A_149], %parallel_loop3A_144 : memref<4096xf32, #tpu.memory_space<vmem>>[vector<16xi32>], vector<16xf32>,
      } {sc.loop_unroll_factor = 8 : i64, sc.parallel_access}
      %mul3A_53 = arith.constant 4096 : i32
      %mul3A_54 = arith.muli %mul3A_33, %mul3A_53 : i32
      %multiple_of3A_55 = tpu.assume_multiple %mul3A_54, 4096 : i32
      %dma_start3A_56 = tpu.memref_slice %arg4[%multiple_of3A_55] : memref<32000000xf32, #tpu.memory_space<hbm>> -> memref<4096xf32, #tpu.memory_space<hbm>>
      %dma_start3A_57 = tpu.memref_slice %arg4[%multiple_of3A_55] : memref<32000000xf32, #tpu.memory_space<hbm>> -> memref<4096xf32, #tpu.memory_space<hbm>>
      tpu.enqueue_dma source(%arg7 : memref<4096xf32, #tpu.memory_space<vmem>>) target(%dma_start3A_57 : memref<4096xf32, #tpu.memory_space<hbm>>) target_semaphore(%arg11 : memref<!tpu.dma_semaphore, #tpu.memory_space<semaphore_mem>>)
      %add3A_58 = arith.constant 1 : i32
      %add3A_59 = arith.addi %while3A_30, %add3A_58 : i32
      %lt3A_60 = arith.cmpi slt, %add3A_59, %select_n3A : i32
      %convert_element_type3A_61 = arith.extui %lt3A_60 : i1 to i32
      %cond3A_62 = arith.constant 0 : i32
      %cond3A_63 = arith.cmpi ne, %convert_element_type3A_61, %cond3A_62 : i32
      scf.if %cond3A_63 {
        %add3A_85 = arith.constant 2 : i32
        %add3A_86 = arith.addi %mul3A_33, %add3A_85 : i32
        %mul3A_87 = arith.constant 128 : i32
        %mul3A_88 = arith.muli %add3A_86, %mul3A_87 : i32
        %multiple_of3A_89 = tpu.assume_multiple %mul3A_88, 128 : i32
        %dma_start3A_90 = arith.constant 0 : i32
        %dma_start3A_91 = tpu.memref_slice %arg2[%dma_start3A_90, %multiple_of3A_89] : memref<32x1000000xf32, #tpu.memory_space<hbm>> -> memref<32x128xf32, #tpu.memory_space<hbm>>
        %dma_start3A_92 = arith.constant 0 : i32
        %dma_start3A_93 = tpu.memref_slice %arg2[%dma_start3A_92, %multiple_of3A_89] : memref<32x1000000xf32, #tpu.memory_space<hbm>> -> memref<32x128xf32, #tpu.memory_space<hbm>>
        tpu.enqueue_dma source(%dma_start3A_93 : memref<32x128xf32, #tpu.memory_space<hbm>>) target(%arg5 : memref<32x128xf32, #tpu.memory_space<vmem>>) target_semaphore(%arg9 : memref<!tpu.dma_semaphore, #tpu.memory_space<semaphore_mem>>)
      } else {
      }
      %dma_wait3A_64 = arith.constant 0 : i32
      %dma_wait3A_65 = arith.constant 0 : i32
      %dma_wait3A_66 = tpu.memref_slice %arg2[%dma_wait3A_64, %dma_wait3A_65] : memref<32x1000000xf32, #tpu.memory_space<hbm>> -> memref<32x128xf32, #tpu.memory_space<hbm>>
      %dma_wait3A_67 = arith.constant 0 : i32
      %dma_wait3A_68 = arith.constant 0 : i32
      %dma_wait3A_69 = tpu.memref_slice %arg2[%dma_wait3A_67, %dma_wait3A_68] : memref<32x1000000xf32, #tpu.memory_space<hbm>> -> memref<32x128xf32, #tpu.memory_space<hbm>>
      tpu.wait_dma2 semaphore(%arg10 : memref<!tpu.dma_semaphore, #tpu.memory_space<semaphore_mem>>) src(%dma_wait3A_69 : memref<32x128xf32, #tpu.memory_space<hbm>>) dst(%arg6 : memref<32x128xf32, #tpu.memory_space<vmem>>)
      %gt3A_70 = arith.constant 0 : i32
      %gt3A_71 = arith.cmpi sgt, %while3A_30, %gt3A_70 : i32
      %convert_element_type3A_72 = arith.extui %gt3A_71 : i1 to i32
      %cond3A_73 = arith.constant 0 : i32
      %cond3A_74 = arith.cmpi ne, %convert_element_type3A_72, %cond3A_73 : i32
      scf.if %cond3A_74 {
        %dma_wait3A_85 = arith.constant 0 : i32
        %dma_wait3A_86 = tpu.memref_slice %arg4[%dma_wait3A_85] : memref<32000000xf32, #tpu.memory_space<hbm>> -> memref<4096xf32, #tpu.memory_space<hbm>>
        %dma_wait3A_87 = arith.constant 0 : i32
        %dma_wait3A_88 = tpu.memref_slice %arg4[%dma_wait3A_87] : memref<32000000xf32, #tpu.memory_space<hbm>> -> memref<4096xf32, #tpu.memory_space<hbm>>
        tpu.wait_dma2 semaphore(%arg12 : memref<!tpu.dma_semaphore, #tpu.memory_space<semaphore_mem>>) src(%arg8 : memref<4096xf32, #tpu.memory_space<vmem>>) dst(%dma_wait3A_88 : memref<4096xf32, #tpu.memory_space<hbm>>)
      } else {
      }
      %parallel_loop3A_75 = arith.constant 0 : i32
      %parallel_loop3A_76 = arith.constant 32 : i32
      %parallel_loop3A_77 = arith.constant 1 : i32
      scf.for %parallel_loop3A_85 = %parallel_loop3A_75 to %parallel_loop3A_76 step %parallel_loop3A_77  : i32 {
        %parallel_loop3A_86 = arith.index_cast %parallel_loop3A_85 : i32 to index
        %parallel_loop3A_87 = arith.constant 0 : index
        %parallel_loop3A_88 = tpu.vector_load %arg6[%parallel_loop3A_86, %parallel_loop3A_87] {strides = array<i32>} : memref<32x128xf32, #tpu.memory_space<vmem>>, vector<16xf32>,
        %parallel_loop3A_89 = arith.constant 0 : i32
        %parallel_loop3A_90 = vector.broadcast %parallel_loop3A_89 : i32 to vector<16xi32>
        %parallel_loop3A_91 = arith.addi %mul3A_9, %parallel_loop3A_90 : vector<16xi32>
        %parallel_loop3A_92 = vector.broadcast %parallel_loop3A_85 : i32 to vector<16xi32>
        %parallel_loop3A_93 = arith.addi %parallel_loop3A_91, %parallel_loop3A_92 : vector<16xi32>
        tpu.vector_store_idx %arg8[%parallel_loop3A_93], %parallel_loop3A_88 : memref<4096xf32, #tpu.memory_space<vmem>>[vector<16xi32>], vector<16xf32>,
        %parallel_loop3A_94 = arith.index_cast %parallel_loop3A_85 : i32 to index
        %parallel_loop3A_95 = arith.constant 16 : index
        %parallel_loop3A_96 = tpu.vector_load %arg6[%parallel_loop3A_94, %parallel_loop3A_95] {strides = array<i32>} : memref<32x128xf32, #tpu.memory_space<vmem>>, vector<16xf32>,
        %parallel_loop3A_97 = arith.constant 512 : i32
        %parallel_loop3A_98 = vector.broadcast %parallel_loop3A_97 : i32 to vector<16xi32>
        %parallel_loop3A_99 = arith.addi %mul3A_9, %parallel_loop3A_98 : vector<16xi32>
        %parallel_loop3A_100 = vector.broadcast %parallel_loop3A_85 : i32 to vector<16xi32>
        %parallel_loop3A_101 = arith.addi %parallel_loop3A_99, %parallel_loop3A_100 : vector<16xi32>
        tpu.vector_store_idx %arg8[%parallel_loop3A_101], %parallel_loop3A_96 : memref<4096xf32, #tpu.memory_space<vmem>>[vector<16xi32>], vector<16xf32>,
        %parallel_loop3A_102 = arith.index_cast %parallel_loop3A_85 : i32 to index
        %parallel_loop3A_103 = arith.constant 32 : index
        %parallel_loop3A_104 = tpu.vector_load %arg6[%parallel_loop3A_102, %parallel_loop3A_103] {strides = array<i32>} : memref<32x128xf32, #tpu.memory_space<vmem>>, vector<16xf32>,
        %parallel_loop3A_105 = arith.constant 1024 : i32
        %parallel_loop3A_106 = vector.broadcast %parallel_loop3A_105 : i32 to vector<16xi32>
        %parallel_loop3A_107 = arith.addi %mul3A_9, %parallel_loop3A_106 : vector<16xi32>
        %parallel_loop3A_108 = vector.broadcast %parallel_loop3A_85 : i32 to vector<16xi32>
        %parallel_loop3A_109 = arith.addi %parallel_loop3A_107, %parallel_loop3A_108 : vector<16xi32>
        tpu.vector_store_idx %arg8[%parallel_loop3A_109], %parallel_loop3A_104 : memref<4096xf32, #tpu.memory_space<vmem>>[vector<16xi32>], vector<16xf32>,
        %parallel_loop3A_110 = arith.index_cast %parallel_loop3A_85 : i32 to index
        %parallel_loop3A_111 = arith.constant 48 : index
        %parallel_loop3A_112 = tpu.vector_load %arg6[%parallel_loop3A_110, %parallel_loop3A_111] {strides = array<i32>} : memref<32x128xf32, #tpu.memory_space<vmem>>, vector<16xf32>,
        %parallel_loop3A_113 = arith.constant 1536 : i32
        %parallel_loop3A_114 = vector.broadcast %parallel_loop3A_113 : i32 to vector<16xi32>
        %parallel_loop3A_115 = arith.addi %mul3A_9, %parallel_loop3A_114 : vector<16xi32>
        %parallel_loop3A_116 = vector.broadcast %parallel_loop3A_85 : i32 to vector<16xi32>
        %parallel_loop3A_117 = arith.addi %parallel_loop3A_115, %parallel_loop3A_116 : vector<16xi32>
        tpu.vector_store_idx %arg8[%parallel_loop3A_117], %parallel_loop3A_112 : memref<4096xf32, #tpu.memory_space<vmem>>[vector<16xi32>], vector<16xf32>,
        %parallel_loop3A_118 = arith.index_cast %parallel_loop3A_85 : i32 to index
        %parallel_loop3A_119 = arith.constant 64 : index
        %parallel_loop3A_120 = tpu.vector_load %arg6[%parallel_loop3A_118, %parallel_loop3A_119] {strides = array<i32>} : memref<32x128xf32, #tpu.memory_space<vmem>>, vector<16xf32>,
        %parallel_loop3A_121 = arith.constant 2048 : i32
        %parallel_loop3A_122 = vector.broadcast %parallel_loop3A_121 : i32 to vector<16xi32>
        %parallel_loop3A_123 = arith.addi %mul3A_9, %parallel_loop3A_122 : vector<16xi32>
        %parallel_loop3A_124 = vector.broadcast %parallel_loop3A_85 : i32 to vector<16xi32>
        %parallel_loop3A_125 = arith.addi %parallel_loop3A_123, %parallel_loop3A_124 : vector<16xi32>
        tpu.vector_store_idx %arg8[%parallel_loop3A_125], %parallel_loop3A_120 : memref<4096xf32, #tpu.memory_space<vmem>>[vector<16xi32>], vector<16xf32>,
        %parallel_loop3A_126 = arith.index_cast %parallel_loop3A_85 : i32 to index
        %parallel_loop3A_127 = arith.constant 80 : index
        %parallel_loop3A_128 = tpu.vector_load %arg6[%parallel_loop3A_126, %parallel_loop3A_127] {strides = array<i32>} : memref<32x128xf32, #tpu.memory_space<vmem>>, vector<16xf32>,
        %parallel_loop3A_129 = arith.constant 2560 : i32
        %parallel_loop3A_130 = vector.broadcast %parallel_loop3A_129 : i32 to vector<16xi32>
        %parallel_loop3A_131 = arith.addi %mul3A_9, %parallel_loop3A_130 : vector<16xi32>
        %parallel_loop3A_132 = vector.broadcast %parallel_loop3A_85 : i32 to vector<16xi32>
        %parallel_loop3A_133 = arith.addi %parallel_loop3A_131, %parallel_loop3A_132 : vector<16xi32>
        tpu.vector_store_idx %arg8[%parallel_loop3A_133], %parallel_loop3A_128 : memref<4096xf32, #tpu.memory_space<vmem>>[vector<16xi32>], vector<16xf32>,
        %parallel_loop3A_134 = arith.index_cast %parallel_loop3A_85 : i32 to index
        %parallel_loop3A_135 = arith.constant 96 : index
        %parallel_loop3A_136 = tpu.vector_load %arg6[%parallel_loop3A_134, %parallel_loop3A_135] {strides = array<i32>} : memref<32x128xf32, #tpu.memory_space<vmem>>, vector<16xf32>,
        %parallel_loop3A_137 = arith.constant 3072 : i32
        %parallel_loop3A_138 = vector.broadcast %parallel_loop3A_137 : i32 to vector<16xi32>
        %parallel_loop3A_139 = arith.addi %mul3A_9, %parallel_loop3A_138 : vector<16xi32>
        %parallel_loop3A_140 = vector.broadcast %parallel_loop3A_85 : i32 to vector<16xi32>
        %parallel_loop3A_141 = arith.addi %parallel_loop3A_139, %parallel_loop3A_140 : vector<16xi32>
        tpu.vector_store_idx %arg8[%parallel_loop3A_141], %parallel_loop3A_136 : memref<4096xf32, #tpu.memory_space<vmem>>[vector<16xi32>], vector<16xf32>,
        %parallel_loop3A_142 = arith.index_cast %parallel_loop3A_85 : i32 to index
        %parallel_loop3A_143 = arith.constant 112 : index
        %parallel_loop3A_144 = tpu.vector_load %arg6[%parallel_loop3A_142, %parallel_loop3A_143] {strides = array<i32>} : memref<32x128xf32, #tpu.memory_space<vmem>>, vector<16xf32>,
        %parallel_loop3A_145 = arith.constant 3584 : i32
        %parallel_loop3A_146 = vector.broadcast %parallel_loop3A_145 : i32 to vector<16xi32>
        %parallel_loop3A_147 = arith.addi %mul3A_9, %parallel_loop3A_146 : vector<16xi32>
        %parallel_loop3A_148 = vector.broadcast %parallel_loop3A_85 : i32 to vector<16xi32>
        %parallel_loop3A_149 = arith.addi %parallel_loop3A_147, %parallel_loop3A_148 : vector<16xi32>
        tpu.vector_store_idx %arg8[%parallel_loop3A_149], %parallel_loop3A_144 : memref<4096xf32, #tpu.memory_space<vmem>>[vector<16xi32>], vector<16xf32>,
      } {sc.loop_unroll_factor = 8 : i64, sc.parallel_access}
      %add3A_78 = arith.constant 1 : i32
      %add3A_79 = arith.addi %mul3A_33, %add3A_78 : i32
      %mul3A_80 = arith.constant 4096 : i32
      %mul3A_81 = arith.muli %add3A_79, %mul3A_80 : i32
      %multiple_of3A_82 = tpu.assume_multiple %mul3A_81, 4096 : i32
      %dma_start3A_83 = tpu.memref_slice %arg4[%multiple_of3A_82] : memref<32000000xf32, #tpu.memory_space<hbm>> -> memref<4096xf32, #tpu.memory_space<hbm>>
      %dma_start3A_84 = tpu.memref_slice %arg4[%multiple_of3A_82] : memref<32000000xf32, #tpu.memory_space<hbm>> -> memref<4096xf32, #tpu.memory_space<hbm>>
      tpu.enqueue_dma source(%arg8 : memref<4096xf32, #tpu.memory_space<vmem>>) target(%dma_start3A_84 : memref<4096xf32, #tpu.memory_space<hbm>>) target_semaphore(%arg12 : memref<!tpu.dma_semaphore, #tpu.memory_space<semaphore_mem>>)
    }
    %gt3A_21 = arith.constant 0 : i32
    %gt3A_22 = arith.cmpi sgt, %select_n3A, %gt3A_21 : i32
    %convert_element_type3A_23 = arith.extui %gt3A_22 : i1 to i32
    %cond3A_24 = arith.constant 0 : i32
    %cond3A_25 = arith.cmpi ne, %convert_element_type3A_23, %cond3A_24 : i32
    scf.if %cond3A_25 {
      %dma_wait3A = arith.constant 0 : i32
      %dma_wait3A_30 = tpu.memref_slice %arg4[%dma_wait3A] : memref<32000000xf32, #tpu.memory_space<hbm>> -> memref<4096xf32, #tpu.memory_space<hbm>>
      %dma_wait3A_31 = arith.constant 0 : i32
      %dma_wait3A_32 = tpu.memref_slice %arg4[%dma_wait3A_31] : memref<32000000xf32, #tpu.memory_space<hbm>> -> memref<4096xf32, #tpu.memory_space<hbm>>
      tpu.wait_dma2 semaphore(%arg11 : memref<!tpu.dma_semaphore, #tpu.memory_space<semaphore_mem>>) src(%arg7 : memref<4096xf32, #tpu.memory_space<vmem>>) dst(%dma_wait3A_32 : memref<4096xf32, #tpu.memory_space<hbm>>)
      %dma_wait3A_33 = arith.constant 0 : i32
      %dma_wait3A_34 = tpu.memref_slice %arg4[%dma_wait3A_33] : memref<32000000xf32, #tpu.memory_space<hbm>> -> memref<4096xf32, #tpu.memory_space<hbm>>
      %dma_wait3A_35 = arith.constant 0 : i32
      %dma_wait3A_36 = tpu.memref_slice %arg4[%dma_wait3A_35] : memref<32000000xf32, #tpu.memory_space<hbm>> -> memref<4096xf32, #tpu.memory_space<hbm>>
      tpu.wait_dma2 semaphore(%arg12 : memref<!tpu.dma_semaphore, #tpu.memory_space<semaphore_mem>>) src(%arg8 : memref<4096xf32, #tpu.memory_space<vmem>>) dst(%dma_wait3A_36 : memref<4096xf32, #tpu.memory_space<hbm>>)
    } else {
    }
    %eq3A = arith.constant 31 : i32
    %eq3A_26 = arith.cmpi eq, %add3A, %eq3A : i32
    %convert_element_type3A_27 = arith.extui %eq3A_26 : i1 to i32
    %cond3A_28 = arith.constant 0 : i32
    %cond3A_29 = arith.cmpi ne, %convert_element_type3A_27, %cond3A_28 : i32
    scf.if %cond3A_29 {
      %dma_start3A = arith.constant 0 : i32
      %dma_start3A_30 = tpu.memref_slice %arg7[%dma_start3A] : memref<4096xf32, #tpu.memory_space<vmem>> -> memref<2048xf32, #tpu.memory_space<vmem>>
      %dma_start3A_31 = arith.constant 0 : i32
      %dma_start3A_32 = tpu.memref_slice %arg7[%dma_start3A_31] : memref<4096xf32, #tpu.memory_space<vmem>> -> memref<2048xf32, #tpu.memory_space<vmem>>
      tpu.enqueue_dma source(%arg3 : memref<2048xf32, #tpu.memory_space<hbm>>) target(%dma_start3A_32 : memref<2048xf32, #tpu.memory_space<vmem>>) target_semaphore(%arg9 : memref<!tpu.dma_semaphore, #tpu.memory_space<semaphore_mem>>)
      %dma_wait3A = arith.constant 0 : i32
      %dma_wait3A_33 = tpu.memref_slice %arg7[%dma_wait3A] : memref<4096xf32, #tpu.memory_space<vmem>> -> memref<2048xf32, #tpu.memory_space<vmem>>
      %dma_wait3A_34 = arith.constant 0 : i32
      %dma_wait3A_35 = tpu.memref_slice %arg7[%dma_wait3A_34] : memref<4096xf32, #tpu.memory_space<vmem>> -> memref<2048xf32, #tpu.memory_space<vmem>>
      tpu.wait_dma2 semaphore(%arg9 : memref<!tpu.dma_semaphore, #tpu.memory_space<semaphore_mem>>) src(%arg3 : memref<2048xf32, #tpu.memory_space<hbm>>) dst(%dma_wait3A_35 : memref<2048xf32, #tpu.memory_space<vmem>>)
      %dma_start3A_36 = arith.constant 0 : i32
      %dma_start3A_37 = tpu.memref_slice %arg7[%dma_start3A_36] : memref<4096xf32, #tpu.memory_space<vmem>> -> memref<2048xf32, #tpu.memory_space<vmem>>
      %dma_start3A_38 = arith.constant 31997952 : i32
      %dma_start3A_39 = tpu.memref_slice %arg4[%dma_start3A_38] : memref<32000000xf32, #tpu.memory_space<hbm>> -> memref<2048xf32, #tpu.memory_space<hbm>>
      %dma_start3A_40 = arith.constant 31997952 : i32
      %dma_start3A_41 = tpu.memref_slice %arg4[%dma_start3A_40] : memref<32000000xf32, #tpu.memory_space<hbm>> -> memref<2048xf32, #tpu.memory_space<hbm>>
      %dma_start3A_42 = arith.constant 0 : i32
      %dma_start3A_43 = tpu.memref_slice %arg7[%dma_start3A_42] : memref<4096xf32, #tpu.memory_space<vmem>> -> memref<2048xf32, #tpu.memory_space<vmem>>
      tpu.enqueue_dma source(%dma_start3A_43 : memref<2048xf32, #tpu.memory_space<vmem>>) target(%dma_start3A_41 : memref<2048xf32, #tpu.memory_space<hbm>>) target_semaphore(%arg9 : memref<!tpu.dma_semaphore, #tpu.memory_space<semaphore_mem>>)
      %dma_wait3A_44 = arith.constant 0 : i32
      %dma_wait3A_45 = tpu.memref_slice %arg7[%dma_wait3A_44] : memref<4096xf32, #tpu.memory_space<vmem>> -> memref<2048xf32, #tpu.memory_space<vmem>>
      %dma_wait3A_46 = arith.constant 31997952 : i32
      %dma_wait3A_47 = tpu.memref_slice %arg4[%dma_wait3A_46] : memref<32000000xf32, #tpu.memory_space<hbm>> -> memref<2048xf32, #tpu.memory_space<hbm>>
      %dma_wait3A_48 = arith.constant 31997952 : i32
      %dma_wait3A_49 = tpu.memref_slice %arg4[%dma_wait3A_48] : memref<32000000xf32, #tpu.memory_space<hbm>> -> memref<2048xf32, #tpu.memory_space<hbm>>
      %dma_wait3A_50 = arith.constant 0 : i32
      %dma_wait3A_51 = tpu.memref_slice %arg7[%dma_wait3A_50] : memref<4096xf32, #tpu.memory_space<vmem>> -> memref<2048xf32, #tpu.memory_space<vmem>>
      tpu.wait_dma2 semaphore(%arg9 : memref<!tpu.dma_semaphore, #tpu.memory_space<semaphore_mem>>) src(%dma_wait3A_51 : memref<2048xf32, #tpu.memory_space<vmem>>) dst(%dma_wait3A_49 : memref<2048xf32, #tpu.memory_space<hbm>>)
    } else {
    }
    return
  }
}

</mosaic_0001>

<sc_bundles>
// kernel: _sc_transpose.3.cloned.1.call-start
scs
__scs_entry_jumppad:
0x0: {  	(pc) =	sbr.rel $0x88, $3  }
0x1: {  	(tag) =	ssettag $0x0;
	lr =	simm.s32 $0x1  }
0x2: {  	[smem:$0x3F9F] =	sst lr;
	_ =	strace $0xD0000000  }
0x3: {  	_ = 	snop  }
0x4: {  	_ = 	snop  }
0x5: {  	_ = 	snop  }
0x6: {  	_ = 	snop  }
0x7: {  	_ = 	snop  }
__scs_overlays_trampoline_lowered:
0x8: {  	[smem:$0x3FAE] =	sst s0  }
0x9: {  	[smem:$0x3FAF] =	sst s1  }
0xa: {  	[smem:$0x3FB0] =	sst s2  }
0xb: {  	[smem:$0x3FB1] =	sst s3  }
0xc: {  	[smem:$0x3FB2] =	sst s4  }
0xd: {  	[smem:$0x3FB3] =	sst s5  }
0xe: {  	[smem:$0x3FB4] =	sst s6  }
0xf: {  	[smem:$0x3FB5] =	sst s7  }
0x10: {  	[smem:$0x3FB6] =	sst s8  }
0x11: {  	[smem:$0x3FB7] =	sst s9;
	s0 =	simm.s32 @!p0 $0x0  }
0x12: {  	s1 =	sld [smem:$0x3F9D];
	s0 =	simm.s32 @p0 $0x1  }
0x13: {  	[smem:$0x3FB8] =	sst s0;
	s0 =	simm.s32 @!p1 $0x0  }
0x14: {  	s2 =	sld [smem:$0x3F9C];
	s0 =	simm.s32 @p1 $0x1  }
0x15: {  	[smem:$0x3FB9] =	sst s0;
	s0 =	simm.s32 @!p2 $0x0  }
0x16: {  	s3 =	sld [smem:$0x3FDB];
	s0 =	simm.s32 @p2 $0x1  }
0x17: {  	s4 =	simm.s32 $0x1BF5;
	[smem:$0x3FBB] =	sst s0  }
0x18: {  	s0 =	sld [smem:$0x3F9E];
	_ =	swait.ge [sflag:s4], $0x0  }
0x19: {  	s7 =	sld [smem:$0x3F9F]  }
0x1a: {  	s8 =	sadd.s32 $0xFFFFE003, lr  }
0x1b: {  	s9 =	sadd.s32 $0xFFFFFEF7, lr;
	s5 =	simm.s32 $0xFFFFFFFF;
	p2 =	slt.u32 s8, $0xFFFFF086  }
0x1c: {  	p1 =	slt.u32 s9, $0xF7A;
	s5 =	simm.s32 @!p2 $0x0  }
0x1d: {  	s5 =	simm.s32 @p1 $0x1;
	p0 =	seq.s32 s7, s2  }
0x1e: {  	s7 =	smul.u32 @!p0 $0xF7A, s2;
	p2 =	seq.s32 @!p0 s5, $0x0  }
0x1f: {  	s9 =	smul.u32 $0xF7A, s1;
	s8 =	simm.s32 @!p0 $0x1BF5;
	p2 =	por !p2, p0  }
0x20: {  	[sflag:s8] =	ssyncset.s32 @!p0 $0xFFFFF086;
	s6 =	sadd.s32 @!p0 s3, s7;
	s7 =	simm.s32 @!p0 $0x108  }
0x21: {  	s3 =	sadd.s32 s3, s9;
	s6 =	sadd.s32 @!p0 $0x88, s6;
	s7 =	simm.s32 @p2 $0x1082  }
0x22: {  	[simem:s7], [sflag:s8] =	dma.local @!p0 [hbm:s6], $0xF7A  }
0x23: {  	s9 =	sor.u32 $0xD0000000, s2;
	s6 =	simm.s32 $0x108;
	_ =	swait.ge @!p0 [sflag:s8], $0x0  }
0x24: {  	s3 =	sadd.s32 $0x88, s3;
	s6 =	simm.s32 @!p1 $0x1082;
	[sflag:s4] =	ssyncset.s32 $0xFFFFF086  }
0x25: {  	[simem:s6], [sflag:s4] =	dma.local [hbm:s3], $0xF7A  }
0x26: {  	[smem:$0x3F9F] =	sst s1;
	(tag) =	ssettag s2;
	_ =	strace s9  }
0x27: {  	s1 =	sld [smem:$0x3FAF]  }
0x28: {  	s2 =	sld [smem:$0x3FB0]  }
0x29: {  	s4 =	sld [smem:$0x3FB2]  }
0x2a: {  	p0 =	seq.s32 s5, $0x0;
	s5 =	sld [smem:$0x3FB3]  }
0x2b: {  	s6 =	sld [smem:$0x3FB4]  }
0x2c: {  	s7 =	sld [smem:$0x3FB5]  }
0x2d: {  	s3 =	simm.s32 $0x108;
	s8 =	sld [smem:$0x3FB6]  }
0x2e: {  	s3 =	simm.s32 @!p0 $0x1082;
	s9 =	sld [smem:$0x3FB7]  }
0x2f: {  	lr =	sadd.s32 s0, s3;
	s0 =	sld [smem:$0x3FAE]  }
0x30: {  	s3 =	sld [smem:$0x3FB1]  }
0x31: {  	[smem:$0x3FBA] =	sst s10  }
0x32: {  	s10 =	sld [smem:$0x3FB8];
	_ =	sdelay $0x3  }
0x33: {  	p0 =	seq.s32 s10, $0x1;
	s10 =	sld [smem:$0x3FBA];
	_ =	sdelay $0x3  }
0x34: {  	[smem:$0x3FBA] =	sst s10  }
0x35: {  	s10 =	sld [smem:$0x3FB9];
	_ =	sdelay $0x3  }
0x36: {  	p1 =	seq.s32 s10, $0x1;
	s10 =	sld [smem:$0x3FBA];
	_ =	sdelay $0x3  }
0x37: {  	[smem:$0x3FBA] =	sst s10  }
0x38: {  	s10 =	sld [smem:$0x3FBB]  }
0x39: {  	_ = 	snop;
	(pc) =	sbr.ind lr, $3  }
0x3a: {  	_ = 	snop  }
0x3b: {  	_ = 	snop  }
0x3c: {  	p2 =	seq.s32 s10, $0x1;
	s10 =	sld [smem:$0x3FBA]  }
0x3d: {  	_ =	shalt  }
0x3e: {  	_ =	shalt  }
0x3f: {  	_ =	shalt  }
0x40: {  	_ =	shalt  }
0x41: {  	_ =	shalt  }
0x42: {  	_ =	shalt  }
0x43: {  	_ =	shalt  }
0x44: {  	_ =	shalt  }
0x45: {  	_ =	shalt  }
0x46: {  	_ =	shalt  }
0x47: {  	_ =	shalt  }
0x48: {  	_ =	shalt  }
0x49: {  	_ =	shalt  }
0x4a: {  	_ =	shalt  }
0x4b: {  	_ =	shalt  }
0x4c: {  	_ =	shalt  }
0x4d: {  	_ =	shalt  }
0x4e: {  	_ =	shalt  }
0x4f: {  	_ =	shalt  }
0x50: {  	_ =	shalt  }
0x51: {  	_ =	shalt  }
0x52: {  	_ =	shalt  }
0x53: {  	_ =	shalt  }
0x54: {  	_ =	shalt  }
0x55: {  	_ =	shalt  }
0x56: {  	_ =	shalt  }
0x57: {  	_ =	shalt  }
0x58: {  	_ =	shalt  }
0x59: {  	_ =	shalt  }
0x5a: {  	_ =	shalt  }
0x5b: {  	_ =	shalt  }
0x5c: {  	_ =	shalt  }
0x5d: {  	_ =	shalt  }
0x5e: {  	_ =	shalt  }
0x5f: {  	_ =	shalt  }
0x60: {  	_ =	shalt  }
0x61: {  	_ =	shalt  }
0x62: {  	_ =	shalt  }
0x63: {  	_ =	shalt  }
0x64: {  	_ =	shalt  }
0x65: {  	_ =	shalt  }
0x66: {  	_ =	shalt  }
0x67: {  	_ =	shalt  }
0x68: {  	_ =	shalt  }
0x69: {  	_ =	shalt  }
0x6a: {  	_ =	shalt  }
0x6b: {  	_ =	shalt  }
0x6c: {  	_ =	shalt  }
0x6d: {  	_ =	shalt  }
0x6e: {  	_ =	shalt  }
0x6f: {  	_ =	shalt  }
0x70: {  	_ =	shalt  }
0x71: {  	_ =	shalt  }
0x72: {  	_ =	shalt  }
0x73: {  	_ =	shalt  }
0x74: {  	_ =	shalt  }
0x75: {  	_ =	shalt  }
0x76: {  	_ =	shalt  }
0x77: {  	_ =	shalt  }
0x78: {  	_ =	shalt  }
0x79: {  	_ =	shalt  }
0x7a: {  	_ =	shalt  }
0x7b: {  	_ =	shalt  }
0x7c: {  	_ =	shalt  }
0x7d: {  	_ =	shalt  }
0x7e: {  	_ =	shalt  }
0x7f: {  	_ =	shalt  }
0x80: {  	_ =	shalt  }
0x81: {  	_ =	shalt  }
0x82: {  	_ =	shalt  }
0x83: {  	_ =	shalt  }
0x84: {  	_ =	shalt  }
0x85: {  	_ =	shalt  }
0x86: {  	_ =	shalt  }
0x87: {  	_ =	shalt  }
.Lfunc_end0:
.L_simem_size_0:
called_computation_lowered:
.L_overlay_start_0:
0x88: {  	s2 =	sld [smem:$0x3FD9]  }
0x89: {  	s3 =	sld [smem:$0x3FFE];
	_ =	sdelay $0x1  }
0x8a: {  	s1 =	srdreg.scid  }
0x8b: {  	s0 =	sand.u32 $0x1, s1  }
0x8c: {  	s18 =	sshll.u32 s0, $0xA;
	s2 =	sadd.s32 s3, s2  }
0x8d: {  	s2 =	sadd.s32 s2, s18  }
0x8e: {  	[smem:$0x3FC6] =	sst s2  }
0x8f: {  	_ = 	snop  }
0x90: {  	s2 =	sld [smem:$0x3FC9]  }
0x91: {  	s19 =	sld [smem:$0x3FC8]  }
0x92: {  	s4 =	sld [smem:$0x3FD0];
	(tm) =	ssettm $0x1  }
0x93: {  	s5 =	sld [smem:$0x3FFB];
	_ =	sdelay $0x3  }
0x94: {  	_ =	strace s5  }
0x95: {  	s5 =	sld [smem:$0x3FFC];
	_ =	sdelay $0x3  }
0x96: {  	_ =	strace s5  }
0x97: {  	s5 =	sld [smem:$0x3FFD];
	_ =	sdelay $0x3  }
0x98: {  	_ =	strace s5  }
0x99: {  	_ =	strace $0x8FFFFFFF  }
0x9a: {  	s20 =	sld [smem:$0x3FDB];
	_ =	sdelay $0x1  }
0x9b: {  	s6 =	simm.s32 $_scs_section_size  }
0x9c: {  	s7 =	simm.s32 $_size__tile_overlayer_lowered;
	s8 =	simm.s32 $_tile_overlayer_lowered  }
0x9d: {  	s23 =	simm.s32 $0x1BFF;
	s22 =	sshll.u32 s8, $0x1;
	s5 =	sadd.s32 s6, s20  }
0x9e: {  	s9 =	simm.s32 $0x0;
	s21 =	sshll.u32 s7, $0x1;
	s7 =	sadd.s32 s22, s5  }
0x9f: {  	[timem:s9], [sflag:s23] =	dma.local [hbm:s7], s21  }
0xa0: {  	_ =	swait.ge [sflag:s23], s21  }
0xa1: {  	s6 =	ssub.s32 $0x0, s21;
	[sflag:s23] =	ssyncset.done $0x0  }
0xa2: {  	[sflag:s23] =	ssyncadd.s32 s6;
	_ =	sdelay $0x1  }
0xa3: {  	s24 =	simm.s32 $0x1B8B  }
0xa4: {  	_ =	swait.ge [sflag:s24], $0x1  }
0xa5: {  	[sflag:s24] =	ssyncset.done $0x0  }
0xa6: {  	s25 =	simm.s32 $0x1B8E;
	[sflag:s24] =	ssyncadd.s32 $0xFFFFFFFF  }
0xa7: {  	s26 =	simm.s32 $execute0_lowered;
	[smem:$0x3FD2] =	sst s25  }
0xa8: {  	s6 =	sshll.u32 s26, $0x1;
	_ =	strace $0x80000046;
	[dreg:$0x1] =	wrdreg $0xFFFFFFFF  }
0xa9: {  	s28 =	simm.s32 $_size_execute0_lowered;
	s5 =	sadd.s32 s5, s6;
	[dreg:$0x0] =	wrdreg $0x0  }
0xaa: {  	s6 =	sshll.u32 s28, $0x1;
	[dreg:$0x2] =	wrdreg s5  }
0xab: {  	[dreg:$0x3] =	wrdreg s6  }
0xac: {  	[dreg:$0x4] =	wrdreg $0xC0  }
0xad: {  	_ =	task [dreg:s9], $0x5FFFF  }
0xae: {  	[dreg:$0x1] =	wrdreg $0xFFFFFFFF  }
0xaf: {  	[dreg:$0x0] =	wrdreg $0x60  }
0xb0: {  	[dreg:$0x2] =	wrdreg s2  }
0xb1: {  	[dreg:$0x3] =	wrdreg s19  }
0xb2: {  	[dreg:$0x4] =	wrdreg s4  }
0xb3: {  	[dreg:$0x5] =	wrdreg $0x9  }
0xb4: {  	_ =	task.clear_ibuf [dreg:s9], $0x6FFFF;
	_ =	strace $0x90000046  }
0xb5: {  	s29 =	simm.s32 $0x9;
	_ =	strace $0x80000048  }
0xb6: {  	_ =	swait.ge [sflag:s29], $0x1  }
0xb7: {  	[sflag:s29] =	ssyncadd.s32 $0xFFFFFFFF  }
0xb8: {  	_ =	strace $0x90000048  }
0xb9: {  	_ =	sfence  }
0xba: {  	s30 =	sld [smem:$0x0];
	_ =	sdelay $0x2  }
0xbb: {  	s31 =	sshll.u32 s1, $0xD;
	s1 =	sshrl.u32 s1, $0x2  }
0xbc: {  	s3 =	sand.u32 $0x4000, s31;
	s1 =	sadd.s32 s1, s30  }
0xbd: {  	s0 =	sor.u32 s3, s0;
	s1 =	sshll.u32 s1, $0x11  }
0xbe: {  	s0 =	sor.u32 s1, s0  }
0xbf: {  	s0 =	sadd.s32 $0x8F2B, s0  }
0xc0: {  	[sflag:s0] =	ssyncadd.remote.s32 $0x1  }
0xc1: {  	_ =	sfence.sel $0xFFFF  }
0xc2: {  	[dreg:$0x0] =	wrdreg $0xFFFFFFFF;
	(pc) =	sbr.abs _section_cstart, $3  }
0xc3: {  	[dreg:$0x1] =	wrdreg $0xFFFFFFFF  }
0xc4: {  	_ =	task.clear_ibuf [dreg:s9], $0x2FFFF;
	_ =	strace $0x9FFFFFFF  }
0xc5: {  	(tm) =	ssettm $0x7FFFFFFF  }
tec
execute0_lowered:
.L_overlay_start_1:
0x0: {  	(tag) =	ssettag $0x1  }
0x1: {  	s1 =	rddreg [dreg:$0x0];
	s0 =	srdreg.scid  }
0x2: {  	s8 =	stileid.u32;
	s4 =	rddreg [dreg:$0x2];
	s5 =	simm.s32 $0x0  }
0x3: {  	s11 =	simm.s32 $0x400;
	s12 =	simm.s32 $0x7A1400;
	s13 =	simm.s32 $0x1000  }
0x4: {  	s14 =	simm.s32 $0x1;
	s15 =	simm.s32 $0x2000;
	s16 =	simm.s32 $0x2  }
0x5: {  	s17 =	simm.s32 $0x3000;
	s0 =	sand.u32 $0x1, s0;
	s2 =	sshll.u32 s8, $0x1  }
0x6: {  	s18 =	simm.s32 $0x3;
	s19 =	simm.s32 $0x4;
	s2 =	sor.u32 s0, s2  }
0x7: {  	v0 =	vlaneseq.u32;
	s20 =	simm.s32 $0x0;
	s0 =	ssub.s32 $0x2, s0;
	s3 =	smul.u32 $0x7A, s2  }
0x8: {  	[smem:$0x7FF] =	sst s5;
	v0 =	vmul.u32 $0x20, v0;
	s6 =	sshrl.u32 s0, $0x1;
	s7 =	smin.u32 s2, $0x2  }
0x9: {  	p0 =	seq.s32 s8, $0x0;
	s0 =	ssub.s32 s0, s6;
	s6 =	sadd.s32 s7, s3  }
0xa: {  	s9 =	sadd.s32 $0x3D0800, s4;
	_ =	strace $0x80000047;
	v1 =	vor.u32 $0x200, v0;
	s3 =	sshll.u32 s6, $0x8  }
0xb: {  	v2 =	vor.u32 $0x400, v0;
	v3 =	vor.u32 $0x600, v0;
	v4 =	vor.u32 $0x800, v0;
	s7 =	simm.s32 $0x7B;
	s10 =	smax.u32 s0, $0x1;
	s3 =	sadd.s32 s1, s3  }
0xc: {  	v5 =	vor.u32 $0xA00, v0;
	v6 =	vor.u32 $0xC00, v0;
	v7 =	vor.u32 $0xE00, v0;
	s7 =	simm.s32 @!p0 $0x7A;
	p0 =	sne.s32 s2, $0x1F;
	[dreg:$0x4] =	wrdreg s3  }
.LBB2_1:
0xd: {  	s0 =	rddreg [dreg:$0x4];
	s21 =	simm.s32 $0x0  }
0xe: {  	[tilespmem:s5], [sflag:$0x1] =	stream.strided.gather [hbm4b:s0+s11], $0x1000, s12, s11, $0x38;
	[tilespmem:$0x4000] =	vst v63  }
.LBB2_2:
0xf: {  	s23 =	sadd.s32 s6, s21  }
0x10: {  	s22 =	sshllo.u32 s23, $0x1  }
0x11: {  	s0 =	sshll.u32 s22, $0x7  }
0x12: {  	s0 =	sand.u32 $0x1FFFFF80, s0  }
0x13: {  	s0 =	sadd.s32 s1, s0  }
0x14: {  	[tilespmem:s13], [sflag:$0x2] =	stream.strided.gather [hbm4b:s0+s11], $0x1000, s12, s11, $0x38;
	[tilespmem:$0x4000] =	vst v63  }
0x15: {  	_ =	swait.ge [sflag:s14], $0x1000  }
0x16: {  	p1 =	seq.s32 s21, $0x0;
	[sflag:s14] =	ssyncset.done $0x0  }
0x17: {  	s0 =	simm.s32 @!p1 $0x3;
	[sflag:s14] =	ssyncadd.s32 $0xFFFFF000  }
0x18: {  	_ =	swait.ge @!p1 [sflag:s0], $0x1000  }
0x19: {  	[sflag:s0] =	ssyncset.done @!p1 $0x0  }
0x1a: {  	s31 =	simm.s32 $0x200;
	s28 =	simm.s32 $0x7;
	[sflag:s0] =	ssyncadd.s32 @!p1 $0xFFFFF000  }
0x1b: {  	s8 =	simm.s32 $0x1;
	v9 =	vor.u32 s28, v0;
	v8 =	vld [tilespmem:s31+$0x180]  }
0x1c: {  	s24 =	simm.s32 $0x2;
	v11 =	vor.u32 s8, v0;
	v10 =	vld [tilespmem:s31+$0xFFFFFE80]  }
0x1d: {  	s3 =	simm.s32 $0x3;
	v13 =	vor.u32 s24, v0;
	v12 =	vld [tilespmem:s31+$0xFFFFFF00]  }
0x1e: {  	s2 =	simm.s32 $0x4;
	v15 =	vor.u32 s3, v0;
	v14 =	vld [tilespmem:s31+$0xFFFFFF80]  }
0x1f: {  	s25 =	simm.s32 $0x5;
	v17 =	vor.u32 s2, v0;
	v16 =	vld [tilespmem:s31+$0x0]  }
0x20: {  	s26 =	simm.s32 $0x6;
	v19 =	vor.u32 s25, v0;
	v18 =	vld [tilespmem:s31+$0x80];
	[tilespmem:v9+s15+$0x0] =	vst.idx.msk $0xffff, v8  }
0x21: {  	s29 =	simm.s32 $0x0;
	[tilespmem:v11+s15+$0x0] =	vst.idx.msk $0xffff, v10;
	v10 =	vld [tilespmem:s31+$0x100];
	v11 =	vor.u32 s26, v0  }
0x22: {  	[tilespmem:v13+s15+$0x0] =	vst.idx.msk $0xffff, v12;
	v12 =	vld [tilespmem:s31+$0xFFFFFE00];
	v13 =	vor.u32 s29, v0  }
0x23: {  	v9 =	vor.u32 s28, v1;
	[tilespmem:v15+s15+$0x0] =	vst.idx.msk $0xffff, v14;
	v8 =	vld [tilespmem:s31+$0x190]  }
0x24: {  	v15 =	vor.u32 s8, v1;
	[tilespmem:v17+s15+$0x0] =	vst.idx.msk $0xffff, v16;
	v14 =	vld [tilespmem:s31+$0xFFFFFE90]  }
0x25: {  	v17 =	vor.u32 s24, v1;
	[tilespmem:v19+s15+$0x0] =	vst.idx.msk $0xffff, v18;
	v16 =	vld [tilespmem:s31+$0xFFFFFF10]  }
0x26: {  	v19 =	vor.u32 s3, v1;
	v18 =	vld [tilespmem:s31+$0xFFFFFF90];
	[tilespmem:v11+s15+$0x0] =	vst.idx.msk $0xffff, v10  }
0x27: {  	[tilespmem:v13+s15+$0x0] =	vst.idx.msk $0xffff, v12;
	v10 =	vld [tilespmem:s31+$0x10];
	v11 =	vor.u32 s2, v1  }
0x28: {  	v12 =	vld [tilespmem:s31+$0x90];
	v13 =	vor.u32 s25, v1;
	[tilespmem:v9+s15+$0x0] =	vst.idx.msk $0xffff, v8  }
0x29: {  	[tilespmem:v15+s15+$0x0] =	vst.idx.msk $0xffff, v14;
	v14 =	vld [tilespmem:s31+$0x110];
	v15 =	vor.u32 s26, v1  }
0x2a: {  	v9 =	vor.u32 s28, v2;
	[tilespmem:v17+s15+$0x0] =	vst.idx.msk $0xffff, v16;
	v8 =	vld [tilespmem:s31+$0x1A0]  }
0x2b: {  	v16 =	vld [tilespmem:s31+$0xFFFFFE10];
	v17 =	vor.u32 s29, v1;
	[tilespmem:v19+s15+$0x0] =	vst.idx.msk $0xffff, v18  }
0x2c: {  	v19 =	vor.u32 s8, v2;
	v18 =	vld [tilespmem:s31+$0xFFFFFEA0];
	[tilespmem:v11+s15+$0x0] =	vst.idx.msk $0xffff, v10  }
0x2d: {  	v10 =	vld [tilespmem:s31+$0xFFFFFF20];
	v11 =	vor.u32 s24, v2;
	[tilespmem:v13+s15+$0x0] =	vst.idx.msk $0xffff, v12  }
0x2e: {  	v12 =	vld [tilespmem:s31+$0xFFFFFFA0];
	v13 =	vor.u32 s3, v2;
	[tilespmem:v15+s15+$0x0] =	vst.idx.msk $0xffff, v14  }
0x2f: {  	v14 =	vld [tilespmem:s31+$0x20];
	v15 =	vor.u32 s2, v2;
	[tilespmem:v9+s15+$0x0] =	vst.idx.msk $0xffff, v8  }
0x30: {  	[tilespmem:v17+s15+$0x0] =	vst.idx.msk $0xffff, v16;
	v9 =	vor.u32 s28, v3;
	v8 =	vld [tilespmem:s31+$0x1B0]  }
0x31: {  	v16 =	vld [tilespmem:s31+$0xA0];
	v17 =	vor.u32 s25, v2;
	[tilespmem:v19+s15+$0x0] =	vst.idx.msk $0xffff, v18  }
0x32: {  	v18 =	vld [tilespmem:s31+$0x120];
	v19 =	vor.u32 s26, v2;
	[tilespmem:v11+s15+$0x0] =	vst.idx.msk $0xffff, v10  }
0x33: {  	v10 =	vld [tilespmem:s31+$0xFFFFFE20];
	v11 =	vor.u32 s29, v2;
	[tilespmem:v13+s15+$0x0] =	vst.idx.msk $0xffff, v12  }
0x34: {  	v12 =	vld [tilespmem:s31+$0xFFFFFEB0];
	v13 =	vor.u32 s8, v3;
	[tilespmem:v15+s15+$0x0] =	vst.idx.msk $0xffff, v14  }
0x35: {  	v14 =	vld [tilespmem:s31+$0xFFFFFF30];
	v15 =	vor.u32 s24, v3;
	[tilespmem:v9+s15+$0x0] =	vst.idx.msk $0xffff, v8  }
0x36: {  	[tilespmem:v17+s15+$0x0] =	vst.idx.msk $0xffff, v16;
	v9 =	vor.u32 s28, v4;
	v8 =	vld [tilespmem:s31+$0x1C0]  }
0x37: {  	v16 =	vld [tilespmem:s31+$0xFFFFFFB0];
	v17 =	vor.u32 s3, v3;
	[tilespmem:v19+s15+$0x0] =	vst.idx.msk $0xffff, v18  }
0x38: {  	v18 =	vld [tilespmem:s31+$0x30];
	v19 =	vor.u32 s2, v3;
	[tilespmem:v11+s15+$0x0] =	vst.idx.msk $0xffff, v10  }
0x39: {  	[tilespmem:v13+s15+$0x0] =	vst.idx.msk $0xffff, v12;
	v10 =	vld [tilespmem:s31+$0xB0];
	v11 =	vor.u32 s25, v3  }
0x3a: {  	v12 =	vld [tilespmem:s31+$0x130];
	v13 =	vor.u32 s26, v3;
	[tilespmem:v15+s15+$0x0] =	vst.idx.msk $0xffff, v14  }
0x3b: {  	v14 =	vld [tilespmem:s31+$0xFFFFFE30];
	v15 =	vor.u32 s29, v3;
	[tilespmem:v9+s15+$0x0] =	vst.idx.msk $0xffff, v8  }
0x3c: {  	[tilespmem:v17+s15+$0x0] =	vst.idx.msk $0xffff, v16;
	v9 =	vor.u32 s28, v5;
	v8 =	vld [tilespmem:s31+$0x1D0]  }
0x3d: {  	v16 =	vld [tilespmem:s31+$0xFFFFFEC0];
	v17 =	vor.u32 s8, v4;
	[tilespmem:v19+s15+$0x0] =	vst.idx.msk $0xffff, v18  }
0x3e: {  	v18 =	vld [tilespmem:s31+$0xFFFFFF40];
	v19 =	vor.u32 s24, v4;
	[tilespmem:v11+s15+$0x0] =	vst.idx.msk $0xffff, v10  }
0x3f: {  	v10 =	vld [tilespmem:s31+$0xFFFFFFC0];
	v11 =	vor.u32 s3, v4;
	[tilespmem:v13+s15+$0x0] =	vst.idx.msk $0xffff, v12  }
0x40: {  	v12 =	vld [tilespmem:s31+$0x40];
	v13 =	vor.u32 s2, v4;
	[tilespmem:v15+s15+$0x0] =	vst.idx.msk $0xffff, v14  }
0x41: {  	v14 =	vld [tilespmem:s31+$0xC0];
	v15 =	vor.u32 s25, v4;
	[tilespmem:v9+s15+$0x0] =	vst.idx.msk $0xffff, v8  }
0x42: {  	[tilespmem:v17+s15+$0x0] =	vst.idx.msk $0xffff, v16;
	v9 =	vor.u32 s28, v6;
	v8 =	vld [tilespmem:s31+$0x1E0]  }
0x43: {  	v16 =	vld [tilespmem:s31+$0x140];
	v17 =	vor.u32 s26, v4;
	[tilespmem:v19+s15+$0x0] =	vst.idx.msk $0xffff, v18  }
0x44: {  	v18 =	vld [tilespmem:s31+$0xFFFFFE40];
	v19 =	vor.u32 s29, v4;
	[tilespmem:v11+s15+$0x0] =	vst.idx.msk $0xffff, v10  }
0x45: {  	v10 =	vld [tilespmem:s31+$0xFFFFFED0];
	v11 =	vor.u32 s8, v5;
	[tilespmem:v13+s15+$0x0] =	vst.idx.msk $0xffff, v12  }
0x46: {  	v12 =	vld [tilespmem:s31+$0xFFFFFF50];
	v13 =	vor.u32 s24, v5;
	[tilespmem:v15+s15+$0x0] =	vst.idx.msk $0xffff, v14  }
0x47: {  	v14 =	vld [tilespmem:s31+$0xFFFFFFD0];
	v15 =	vor.u32 s3, v5;
	[tilespmem:v9+s15+$0x0] =	vst.idx.msk $0xffff, v8  }
0x48: {  	[tilespmem:v17+s15+$0x0] =	vst.idx.msk $0xffff, v16;
	v9 =	vor.u32 s28, v7;
	v8 =	vld [tilespmem:s31+$0x1F0]  }
0x49: {  	v16 =	vld [tilespmem:s31+$0x50];
	v17 =	vor.u32 s2, v5;
	[tilespmem:v19+s15+$0x0] =	vst.idx.msk $0xffff, v18  }
0x4a: {  	v18 =	vld [tilespmem:s31+$0xD0];
	v19 =	vor.u32 s25, v5;
	[tilespmem:v11+s15+$0x0] =	vst.idx.msk $0xffff, v10  }
0x4b: {  	v10 =	vld [tilespmem:s31+$0xFFFFFE50];
	v11 =	vor.u32 s29, v5;
	[tilespmem:v13+s15+$0x0] =	vst.idx.msk $0xffff, v12  }
0x4c: {  	v13 =	vor.u32 s8, v6;
	v12 =	vld [tilespmem:s31+$0xFFFFFEE0];
	[tilespmem:v15+s15+$0x0] =	vst.idx.msk $0xffff, v14  }
0x4d: {  	[tilespmem:v9+s15+$0x0] =	vst.idx.msk $0xffff, v8;
	v8 =	vld [tilespmem:s31+$0x150];
	v9 =	vor.u32 s26, v5  }
0x4e: {  	v14 =	vld [tilespmem:s31+$0xFFFFFF60];
	v15 =	vor.u32 s24, v6;
	[tilespmem:v17+s15+$0x0] =	vst.idx.msk $0xffff, v16  }
0x4f: {  	v17 =	vor.u32 s3, v6;
	v16 =	vld [tilespmem:s31+$0xFFFFFFE0];
	[tilespmem:v19+s15+$0x0] =	vst.idx.msk $0xffff, v18  }
0x50: {  	v18 =	vld [tilespmem:s31+$0x60];
	v19 =	vor.u32 s2, v6;
	[tilespmem:v11+s15+$0x0] =	vst.idx.msk $0xffff, v10  }
0x51: {  	v20 =	vor.u32 s29, v6;
	[tilespmem:v13+s15+$0x0] =	vst.idx.msk $0xffff, v12;
	v13 =	vld [tilespmem:s31+$0xFFFFFE60]  }
0x52: {  	[tilespmem:v9+s15+$0x0] =	vst.idx.msk $0xffff, v8;
	v8 =	vld [tilespmem:s31+$0xE0];
	v9 =	vor.u32 s25, v6  }
0x53: {  	v12 =	vor.u32 s26, v6;
	[tilespmem:v15+s15+$0x0] =	vst.idx.msk $0xffff, v14;
	v10 =	vld [tilespmem:s31+$0x160]  }
0x54: {  	v22 =	vor.u32 s8, v7;
	v21 =	vld [tilespmem:s31+$0xFFFFFEF0];
	[tilespmem:v17+s15+$0x0] =	vst.idx.msk $0xffff, v16  }
0x55: {  	v24 =	vor.u32 s24, v7;
	v23 =	vld [tilespmem:s31+$0xFFFFFF70];
	[tilespmem:v19+s15+$0x0] =	vst.idx.msk $0xffff, v18  }
0x56: {  	v17 =	vor.u32 s3, v7;
	v15 =	vld [tilespmem:s31+$0xFFFFFFF0];
	[tilespmem:v20+s15+$0x0] =	vst.idx.msk $0xffff, v13  }
0x57: {  	v16 =	vor.u32 s2, v7;
	v11 =	vld [tilespmem:s31+$0x70];
	[tilespmem:v9+s15+$0x0] =	vst.idx.msk $0xffff, v8  }
0x58: {  	v14 =	vor.u32 s25, v7;
	[tilespmem:v12+s15+$0x0] =	vst.idx.msk $0xffff, v10;
	v8 =	vld [tilespmem:s31+$0xF0]  }
0x59: {  	s24 =	simm.s32 $0x8;
	[tilespmem:v22+s15+$0x0] =	vst.idx.msk $0xffff, v21;
	v12 =	vor.u32 s26, v7;
	v9 =	vld [tilespmem:s31+$0x170]  }
0x5a: {  	s28 =	simm.s32 $0x10;
	v13 =	vor.u32 s29, v7;
	[tilespmem:v24+s15+$0x0] =	vst.idx.msk $0xffff, v23;
	s25 =	simm.s32 $0x600;
	s26 =	simm.s32 $0xF;
	v10 =	vld [tilespmem:s31+$0xFFFFFE70]  }
.LBB2_3:
0x5b: {  	p2 =	slt.u32 s28, $0x18;
	s30 =	sadd.s32 $0x1, s24;
	v18 =	vld [tilespmem:s25+$0x180];
	v19 =	vor.u32 s26, v0;
	[tilespmem:v17+s15+$0x0] =	vst.idx.msk $0xffff, v15;
	s29 =	smov.u32 s24  }
0x5c: {  	s24 =	smov.u32 s28;
	v15 =	vld [tilespmem:s25+$0xFFFFFE80];
	v17 =	vor.u32 s30, v0;
	s31 =	sadd.s32 $0x2, s29;
	[tilespmem:v16+s15+$0x0] =	vst.idx.msk $0xffff, v11  }
0x5d: {  	s2 =	sadd.s32 $0x3, s29;
	v11 =	vld [tilespmem:s25+$0xFFFFFF00];
	v16 =	vor.u32 s31, v0;
	[tilespmem:v14+s15+$0x0] =	vst.idx.msk $0xffff, v8  }
0x5e: {  	s0 =	sadd.s32 $0x4, s29;
	v14 =	vor.u32 s2, v0;
	v8 =	vld [tilespmem:s25+$0xFFFFFF80];
	[tilespmem:v12+s15+$0x0] =	vst.idx.msk $0xffff, v9  }
0x5f: {  	s3 =	sadd.s32 $0x5, s29;
	v12 =	vor.u32 s0, v0;
	v9 =	vld [tilespmem:s25+$0x0];
	[tilespmem:v13+s15+$0x0] =	vst.idx.msk $0xffff, v10  }
0x60: {  	v13 =	vor.u32 s3, v0;
	v10 =	vld [tilespmem:s25+$0x80];
	[tilespmem:v19+s15+$0x0] =	vst.idx.msk $0xffff, v18  }
0x61: {  	s8 =	sadd.s32 $0x6, s29;
	[tilespmem:v17+s15+$0x0] =	vst.idx.msk $0xffff, v15;
	v15 =	vld [tilespmem:s25+$0x190];
	v17 =	vor.u32 s26, v1  }
0x62: {  	[tilespmem:v16+s15+$0x0] =	vst.idx.msk $0xffff, v11;
	v11 =	vld [tilespmem:s25+$0x100];
	v16 =	vor.u32 s8, v0  }
0x63: {  	v19 =	vor.u32 s29, v0;
	v18 =	vld [tilespmem:s25+$0xFFFFFE00];
	[tilespmem:v14+s15+$0x0] =	vst.idx.msk $0xffff, v8  }
0x64: {  	v14 =	vor.u32 s30, v1;
	v8 =	vld [tilespmem:s25+$0xFFFFFE90];
	[tilespmem:v12+s15+$0x0] =	vst.idx.msk $0xffff, v9  }
0x65: {  	v12 =	vor.u32 s31, v1;
	v9 =	vld [tilespmem:s25+$0xFFFFFF10];
	[tilespmem:v13+s15+$0x0] =	vst.idx.msk $0xffff, v10  }
0x66: {  	v13 =	vor.u32 s2, v1;
	v10 =	vld [tilespmem:s25+$0xFFFFFF90];
	[tilespmem:v17+s15+$0x0] =	vst.idx.msk $0xffff, v15  }
0x67: {  	v15 =	vor.u32 s26, v2;
	[tilespmem:v16+s15+$0x0] =	vst.idx.msk $0xffff, v11;
	v11 =	vld [tilespmem:s25+$0x1A0]  }
0x68: {  	v17 =	vor.u32 s0, v1;
	[tilespmem:v19+s15+$0x0] =	vst.idx.msk $0xffff, v18;
	v16 =	vld [tilespmem:s25+$0x10]  }
0x69: {  	[tilespmem:v14+s15+$0x0] =	vst.idx.msk $0xffff, v8;
	v8 =	vld [tilespmem:s25+$0x90];
	v14 =	vor.u32 s3, v1  }
0x6a: {  	[tilespmem:v12+s15+$0x0] =	vst.idx.msk $0xffff, v9;
	v9 =	vld [tilespmem:s25+$0x110];
	v12 =	vor.u32 s8, v1  }
0x6b: {  	v19 =	vor.u32 s29, v1;
	v18 =	vld [tilespmem:s25+$0xFFFFFE10];
	[tilespmem:v13+s15+$0x0] =	vst.idx.msk $0xffff, v10  }
0x6c: {  	v13 =	vor.u32 s30, v2;
	v10 =	vld [tilespmem:s25+$0xFFFFFEA0];
	[tilespmem:v15+s15+$0x0] =	vst.idx.msk $0xffff, v11  }
0x6d: {  	v15 =	vor.u32 s26, v3;
	[tilespmem:v17+s15+$0x0] =	vst.idx.msk $0xffff, v16;
	v11 =	vld [tilespmem:s25+$0x1B0]  }
0x6e: {  	v17 =	vor.u32 s31, v2;
	v16 =	vld [tilespmem:s25+$0xFFFFFF20];
	[tilespmem:v14+s15+$0x0] =	vst.idx.msk $0xffff, v8  }
0x6f: {  	v14 =	vor.u32 s2, v2;
	v8 =	vld [tilespmem:s25+$0xFFFFFFA0];
	[tilespmem:v12+s15+$0x0] =	vst.idx.msk $0xffff, v9  }
0x70: {  	v12 =	vor.u32 s0, v2;
	[tilespmem:v19+s15+$0x0] =	vst.idx.msk $0xffff, v18;
	v9 =	vld [tilespmem:s25+$0x20]  }
0x71: {  	[tilespmem:v13+s15+$0x0] =	vst.idx.msk $0xffff, v10;
	v10 =	vld [tilespmem:s25+$0xA0];
	v13 =	vor.u32 s3, v2  }
0x72: {  	v19 =	vor.u32 s8, v2;
	v18 =	vld [tilespmem:s25+$0x120];
	[tilespmem:v15+s15+$0x0] =	vst.idx.msk $0xffff, v11  }
0x73: {  	v15 =	vor.u32 s26, v4;
	[tilespmem:v17+s15+$0x0] =	vst.idx.msk $0xffff, v16;
	v11 =	vld [tilespmem:s25+$0x1C0]  }
0x74: {  	v17 =	vor.u32 s29, v2;
	v16 =	vld [tilespmem:s25+$0xFFFFFE20];
	[tilespmem:v14+s15+$0x0] =	vst.idx.msk $0xffff, v8  }
0x75: {  	v14 =	vor.u32 s30, v3;
	v8 =	vld [tilespmem:s25+$0xFFFFFEB0];
	[tilespmem:v12+s15+$0x0] =	vst.idx.msk $0xffff, v9  }
0x76: {  	v12 =	vor.u32 s31, v3;
	v9 =	vld [tilespmem:s25+$0xFFFFFF30];
	[tilespmem:v13+s15+$0x0] =	vst.idx.msk $0xffff, v10  }
0x77: {  	v13 =	vor.u32 s2, v3;
	v10 =	vld [tilespmem:s25+$0xFFFFFFB0];
	[tilespmem:v19+s15+$0x0] =	vst.idx.msk $0xffff, v18  }
0x78: {  	v19 =	vor.u32 s0, v3;
	v18 =	vld [tilespmem:s25+$0x30];
	[tilespmem:v15+s15+$0x0] =	vst.idx.msk $0xffff, v11  }
0x79: {  	v15 =	vor.u32 s26, v5;
	[tilespmem:v17+s15+$0x0] =	vst.idx.msk $0xffff, v16;
	v11 =	vld [tilespmem:s25+$0x1D0]  }
0x7a: {  	[tilespmem:v14+s15+$0x0] =	vst.idx.msk $0xffff, v8;
	v8 =	vld [tilespmem:s25+$0xB0];
	v14 =	vor.u32 s3, v3  }
0x7b: {  	[tilespmem:v12+s15+$0x0] =	vst.idx.msk $0xffff, v9;
	v9 =	vld [tilespmem:s25+$0x130];
	v12 =	vor.u32 s8, v3  }
0x7c: {  	v17 =	vor.u32 s29, v3;
	v16 =	vld [tilespmem:s25+$0xFFFFFE30];
	[tilespmem:v13+s15+$0x0] =	vst.idx.msk $0xffff, v10  }
0x7d: {  	v13 =	vor.u32 s30, v4;
	v10 =	vld [tilespmem:s25+$0xFFFFFEC0];
	[tilespmem:v19+s15+$0x0] =	vst.idx.msk $0xffff, v18  }
0x7e: {  	v19 =	vor.u32 s31, v4;
	v18 =	vld [tilespmem:s25+$0xFFFFFF40];
	[tilespmem:v15+s15+$0x0] =	vst.idx.msk $0xffff, v11  }
0x7f: {  	v11 =	vor.u32 s26, v6;
	[tilespmem:v14+s15+$0x0] =	vst.idx.msk $0xffff, v8;
	v8 =	vld [tilespmem:s25+$0x1E0]  }
0x80: {  	v15 =	vor.u32 s2, v4;
	v14 =	vld [tilespmem:s25+$0xFFFFFFC0];
	[tilespmem:v12+s15+$0x0] =	vst.idx.msk $0xffff, v9  }
0x81: {  	v12 =	vor.u32 s0, v4;
	[tilespmem:v17+s15+$0x0] =	vst.idx.msk $0xffff, v16;
	v9 =	vld [tilespmem:s25+$0x40]  }
0x82: {  	[tilespmem:v13+s15+$0x0] =	vst.idx.msk $0xffff, v10;
	v10 =	vld [tilespmem:s25+$0xC0];
	v13 =	vor.u32 s3, v4  }
0x83: {  	v17 =	vor.u32 s8, v4;
	[tilespmem:v19+s15+$0x0] =	vst.idx.msk $0xffff, v18;
	v16 =	vld [tilespmem:s25+$0x140]  }
0x84: {  	v19 =	vor.u32 s29, v4;
	v18 =	vld [tilespmem:s25+$0xFFFFFE40];
	[tilespmem:v11+s15+$0x0] =	vst.idx.msk $0xffff, v8  }
0x85: {  	v11 =	vor.u32 s26, v7;
	[tilespmem:v15+s15+$0x0] =	vst.idx.msk $0xffff, v14;
	v8 =	vld [tilespmem:s25+$0x1F0]  }
0x86: {  	v15 =	vor.u32 s30, v5;
	v14 =	vld [tilespmem:s25+$0xFFFFFED0];
	[tilespmem:v12+s15+$0x0] =	vst.idx.msk $0xffff, v9  }
0x87: {  	v12 =	vor.u32 s31, v5;
	v9 =	vld [tilespmem:s25+$0xFFFFFF50];
	[tilespmem:v13+s15+$0x0] =	vst.idx.msk $0xffff, v10  }
0x88: {  	v13 =	vor.u32 s2, v5;
	v10 =	vld [tilespmem:s25+$0xFFFFFFD0];
	[tilespmem:v17+s15+$0x0] =	vst.idx.msk $0xffff, v16  }
0x89: {  	v17 =	vor.u32 s0, v5;
	[tilespmem:v19+s15+$0x0] =	vst.idx.msk $0xffff, v18;
	v16 =	vld [tilespmem:s25+$0x50]  }
0x8a: {  	v19 =	vor.u32 s3, v5;
	v18 =	vld [tilespmem:s25+$0xD0];
	[tilespmem:v11+s15+$0x0] =	vst.idx.msk $0xffff, v8  }
0x8b: {  	v11 =	vor.u32 s8, v5;
	[tilespmem:v15+s15+$0x0] =	vst.idx.msk $0xffff, v14;
	v8 =	vld [tilespmem:s25+$0x150]  }
0x8c: {  	v15 =	vor.u32 s29, v5;
	v14 =	vld [tilespmem:s25+$0xFFFFFE50];
	[tilespmem:v12+s15+$0x0] =	vst.idx.msk $0xffff, v9  }
0x8d: {  	v12 =	vor.u32 s30, v6;
	v9 =	vld [tilespmem:s25+$0xFFFFFEE0];
	[tilespmem:v13+s15+$0x0] =	vst.idx.msk $0xffff, v10  }
0x8e: {  	v13 =	vor.u32 s31, v6;
	v10 =	vld [tilespmem:s25+$0xFFFFFF60];
	[tilespmem:v17+s15+$0x0] =	vst.idx.msk $0xffff, v16  }
0x8f: {  	v17 =	vor.u32 s2, v6;
	v16 =	vld [tilespmem:s25+$0xFFFFFFE0];
	[tilespmem:v19+s15+$0x0] =	vst.idx.msk $0xffff, v18  }
0x90: {  	v19 =	vor.u32 s0, v6;
	v18 =	vld [tilespmem:s25+$0x60];
	[tilespmem:v11+s15+$0x0] =	vst.idx.msk $0xffff, v8  }
0x91: {  	v11 =	vor.u32 s3, v6;
	[tilespmem:v15+s15+$0x0] =	vst.idx.msk $0xffff, v14;
	v8 =	vld [tilespmem:s25+$0xE0]  }
0x92: {  	[tilespmem:v12+s15+$0x0] =	vst.idx.msk $0xffff, v9;
	v9 =	vld [tilespmem:s25+$0x160];
	v12 =	vor.u32 s8, v6  }
0x93: {  	v20 =	vor.u32 s29, v6;
	v14 =	vld [tilespmem:s25+$0xFFFFFE60];
	[tilespmem:v13+s15+$0x0] =	vst.idx.msk $0xffff, v10  }
0x94: {  	v13 =	vor.u32 s30, v7;
	v10 =	vld [tilespmem:s25+$0xFFFFFEF0];
	[tilespmem:v17+s15+$0x0] =	vst.idx.msk $0xffff, v16  }
0x95: {  	v22 =	vor.u32 s31, v7;
	v21 =	vld [tilespmem:s25+$0xFFFFFF70];
	[tilespmem:v19+s15+$0x0] =	vst.idx.msk $0xffff, v18  }
.Ltmp0:
0x96: {  	v17 =	vor.u32 s2, v7;
	v15 =	vld [tilespmem:s25+$0xFFFFFFF0];
	[tilespmem:v11+s15+$0x0] =	vst.idx.msk $0xffff, v8;
	(pc) =	sbr.rel @p2 .LBB2_3-.Ltmp0, $4  }
0x97: {  	v16 =	vor.u32 s0, v7;
	v11 =	vld [tilespmem:s25+$0x70];
	[tilespmem:v12+s15+$0x0] =	vst.idx.msk $0xffff, v9  }
0x98: {  	[tilespmem:v20+s15+$0x0] =	vst.idx.msk $0xffff, v14;
	v8 =	vld [tilespmem:s25+$0xF0];
	v14 =	vor.u32 s3, v7  }
0x99: {  	v12 =	vor.u32 s8, v7;
	[tilespmem:v13+s15+$0x0] =	vst.idx.msk $0xffff, v10;
	v9 =	vld [tilespmem:s25+$0x170]  }
0x9a: {  	s28 =	sadd.s32 $0x8, s28;
	s26 =	sadd.s32 $0x7, s24;
	v13 =	vor.u32 s29, v7;
	v10 =	vld [tilespmem:s25+$0xFFFFFE70];
	[tilespmem:v22+s15+$0x0] =	vst.idx.msk $0xffff, v21;
	s25 =	sadd.s32 $0x400, s25  }
0x9b: {  	_ =	sdelay $0x3  }
0x9c: {  	s0 =	sadd.s32 $0x1, s24;
	v18 =	vld [tilespmem:s25+$0x180];
	v19 =	vor.u32 s26, v0;
	[tilespmem:v17+s15+$0x0] =	vst.idx.msk $0xffff, v15  }
0x9d: {  	v15 =	vld [tilespmem:s25+$0xFFFFFE80];
	s2 =	sadd.s32 $0x2, s24;
	v17 =	vor.u32 s0, v0;
	[tilespmem:v16+s15+$0x0] =	vst.idx.msk $0xffff, v11  }
0x9e: {  	s3 =	sadd.s32 $0x3, s24;
	v11 =	vld [tilespmem:s25+$0xFFFFFF00];
	v16 =	vor.u32 s2, v0;
	[tilespmem:v14+s15+$0x0] =	vst.idx.msk $0xffff, v8  }
0x9f: {  	s8 =	sadd.s32 $0x4, s24;
	v8 =	vld [tilespmem:s25+$0xFFFFFF80];
	v14 =	vor.u32 s3, v0;
	[tilespmem:v12+s15+$0x0] =	vst.idx.msk $0xffff, v9  }
0xa0: {  	s28 =	sadd.s32 $0x5, s24;
	v9 =	vld [tilespmem:s25+$0x0];
	v12 =	vor.u32 s8, v0;
	[tilespmem:v13+s15+$0x0] =	vst.idx.msk $0xffff, v10  }
0xa1: {  	v10 =	vld [tilespmem:s25+$0x80];
	v13 =	vor.u32 s28, v0;
	[tilespmem:v19+s15+$0x0] =	vst.idx.msk $0xffff, v18  }
0xa2: {  	s29 =	sadd.s32 $0x6, s24;
	[tilespmem:v17+s15+$0x0] =	vst.idx.msk $0xffff, v15;
	v15 =	vld [tilespmem:s25+$0x190];
	v17 =	vor.u32 s26, v1  }
0xa3: {  	[tilespmem:v16+s15+$0x0] =	vst.idx.msk $0xffff, v11;
	v11 =	vld [tilespmem:s25+$0x100];
	v16 =	vor.u32 s29, v0  }
0xa4: {  	v18 =	vld [tilespmem:s25+$0xFFFFFE00];
	v19 =	vor.u32 s24, v0;
	[tilespmem:v14+s15+$0x0] =	vst.idx.msk $0xffff, v8  }
0xa5: {  	v8 =	vld [tilespmem:s25+$0xFFFFFE90];
	v14 =	vor.u32 s0, v1;
	[tilespmem:v12+s15+$0x0] =	vst.idx.msk $0xffff, v9  }
0xa6: {  	v9 =	vld [tilespmem:s25+$0xFFFFFF10];
	v12 =	vor.u32 s2, v1;
	[tilespmem:v13+s15+$0x0] =	vst.idx.msk $0xffff, v10  }
0xa7: {  	v10 =	vld [tilespmem:s25+$0xFFFFFF90];
	v13 =	vor.u32 s3, v1;
	[tilespmem:v17+s15+$0x0] =	vst.idx.msk $0xffff, v15  }
0xa8: {  	[tilespmem:v16+s15+$0x0] =	vst.idx.msk $0xffff, v11;
	v16 =	vld [tilespmem:s25+$0x10];
	v17 =	vor.u32 s8, v1  }
0xa9: {  	[tilespmem:v19+s15+$0x0] =	vst.idx.msk $0xffff, v18;
	v15 =	vor.u32 s26, v2;
	v11 =	vld [tilespmem:s25+$0x1A0]  }
0xaa: {  	[tilespmem:v14+s15+$0x0] =	vst.idx.msk $0xffff, v8;
	v8 =	vld [tilespmem:s25+$0x90];
	v14 =	vor.u32 s28, v1  }
0xab: {  	v19 =	vor.u32 s24, v1;
	v18 =	vld [tilespmem:s25+$0xFFFFFE10];
	[tilespmem:v12+s15+$0x0] =	vst.idx.msk $0xffff, v9  }
0xac: {  	v9 =	vld [tilespmem:s25+$0x110];
	v12 =	vor.u32 s29, v1;
	[tilespmem:v13+s15+$0x0] =	vst.idx.msk $0xffff, v10  }
0xad: {  	v10 =	vld [tilespmem:s25+$0xFFFFFEA0];
	v13 =	vor.u32 s0, v2;
	[tilespmem:v17+s15+$0x0] =	vst.idx.msk $0xffff, v16  }
0xae: {  	v16 =	vld [tilespmem:s25+$0xFFFFFF20];
	v17 =	vor.u32 s2, v2;
	[tilespmem:v15+s15+$0x0] =	vst.idx.msk $0xffff, v11  }
0xaf: {  	[tilespmem:v14+s15+$0x0] =	vst.idx.msk $0xffff, v8;
	v8 =	vld [tilespmem:s25+$0xFFFFFFA0];
	v14 =	vor.u32 s3, v2  }
0xb0: {  	[tilespmem:v19+s15+$0x0] =	vst.idx.msk $0xffff, v18;
	v15 =	vor.u32 s26, v3;
	v11 =	vld [tilespmem:s25+$0x1B0]  }
0xb1: {  	[tilespmem:v12+s15+$0x0] =	vst.idx.msk $0xffff, v9;
	v9 =	vld [tilespmem:s25+$0x20];
	v12 =	vor.u32 s8, v2  }
0xb2: {  	[tilespmem:v13+s15+$0x0] =	vst.idx.msk $0xffff, v10;
	v10 =	vld [tilespmem:s25+$0xA0];
	v13 =	vor.u32 s28, v2  }
0xb3: {  	v19 =	vor.u32 s29, v2;
	v18 =	vld [tilespmem:s25+$0x120];
	[tilespmem:v17+s15+$0x0] =	vst.idx.msk $0xffff, v16  }
0xb4: {  	v16 =	vld [tilespmem:s25+$0xFFFFFE20];
	v17 =	vor.u32 s24, v2;
	[tilespmem:v14+s15+$0x0] =	vst.idx.msk $0xffff, v8  }
0xb5: {  	v8 =	vld [tilespmem:s25+$0xFFFFFEB0];
	v14 =	vor.u32 s0, v3;
	[tilespmem:v15+s15+$0x0] =	vst.idx.msk $0xffff, v11  }
0xb6: {  	[tilespmem:v12+s15+$0x0] =	vst.idx.msk $0xffff, v9;
	v9 =	vld [tilespmem:s25+$0xFFFFFF30];
	v12 =	vor.u32 s2, v3  }
0xb7: {  	v15 =	vor.u32 s26, v4;
	v11 =	vld [tilespmem:s25+$0x1C0];
	[tilespmem:v13+s15+$0x0] =	vst.idx.msk $0xffff, v10  }
0xb8: {  	v10 =	vld [tilespmem:s25+$0xFFFFFFB0];
	v13 =	vor.u32 s3, v3;
	[tilespmem:v19+s15+$0x0] =	vst.idx.msk $0xffff, v18  }
0xb9: {  	v18 =	vld [tilespmem:s25+$0x30];
	v19 =	vor.u32 s8, v3;
	[tilespmem:v17+s15+$0x0] =	vst.idx.msk $0xffff, v16  }
0xba: {  	[tilespmem:v14+s15+$0x0] =	vst.idx.msk $0xffff, v8;
	v8 =	vld [tilespmem:s25+$0xB0];
	v14 =	vor.u32 s28, v3  }
0xbb: {  	[tilespmem:v12+s15+$0x0] =	vst.idx.msk $0xffff, v9;
	v9 =	vld [tilespmem:s25+$0x130];
	v12 =	vor.u32 s29, v3  }
0xbc: {  	v17 =	vor.u32 s24, v3;
	v16 =	vld [tilespmem:s25+$0xFFFFFE30];
	[tilespmem:v15+s15+$0x0] =	vst.idx.msk $0xffff, v11  }
0xbd: {  	v15 =	vor.u32 s26, v5;
	[tilespmem:v13+s15+$0x0] =	vst.idx.msk $0xffff, v10;
	v11 =	vld [tilespmem:s25+$0x1D0]  }
0xbe: {  	v10 =	vld [tilespmem:s25+$0xFFFFFEC0];
	v13 =	vor.u32 s0, v4;
	[tilespmem:v19+s15+$0x0] =	vst.idx.msk $0xffff, v18  }
0xbf: {  	v18 =	vld [tilespmem:s25+$0xFFFFFF40];
	v19 =	vor.u32 s2, v4;
	[tilespmem:v14+s15+$0x0] =	vst.idx.msk $0xffff, v8  }
0xc0: {  	[tilespmem:v12+s15+$0x0] =	vst.idx.msk $0xffff, v9;
	v9 =	vld [tilespmem:s25+$0x40];
	v12 =	vor.u32 s8, v4  }
0xc1: {  	[tilespmem:v17+s15+$0x0] =	vst.idx.msk $0xffff, v16;
	v17 =	vor.u32 s29, v4;
	v16 =	vld [tilespmem:s25+$0x140]  }
0xc2: {  	v14 =	vld [tilespmem:s25+$0xFFFFFFC0];
	[tilespmem:v15+s15+$0x0] =	vst.idx.msk $0xffff, v11;
	v15 =	vor.u32 s3, v4  }
0xc3: {  	[tilespmem:v13+s15+$0x0] =	vst.idx.msk $0xffff, v10;
	v11 =	vor.u32 s26, v6;
	v8 =	vld [tilespmem:s25+$0x1E0]  }
0xc4: {  	v10 =	vld [tilespmem:s25+$0xC0];
	v13 =	vor.u32 s28, v4;
	[tilespmem:v19+s15+$0x0] =	vst.idx.msk $0xffff, v18  }
0xc5: {  	v18 =	vld [tilespmem:s25+$0xFFFFFE40];
	v19 =	vor.u32 s24, v4;
	[tilespmem:v12+s15+$0x0] =	vst.idx.msk $0xffff, v9  }
0xc6: {  	v9 =	vld [tilespmem:s25+$0xFFFFFF50];
	v12 =	vor.u32 s2, v5;
	[tilespmem:v17+s15+$0x0] =	vst.idx.msk $0xffff, v16  }
0xc7: {  	[tilespmem:v15+s15+$0x0] =	vst.idx.msk $0xffff, v14;
	v14 =	vld [tilespmem:s25+$0xFFFFFED0];
	v15 =	vor.u32 s0, v5  }
0xc8: {  	v16 =	vld [tilespmem:s25+$0x50];
	v17 =	vor.u32 s8, v5;
	[tilespmem:v11+s15+$0x0] =	vst.idx.msk $0xffff, v8  }
0xc9: {  	[tilespmem:v13+s15+$0x0] =	vst.idx.msk $0xffff, v10;
	v11 =	vor.u32 s26, v7;
	v8 =	vld [tilespmem:s25+$0x1F0]  }
0xca: {  	v13 =	vor.u32 s3, v5;
	[tilespmem:v19+s15+$0x0] =	vst.idx.msk $0xffff, v18;
	v10 =	vld [tilespmem:s25+$0xFFFFFFD0]  }
0xcb: {  	v19 =	vor.u32 s28, v5;
	v18 =	vld [tilespmem:s25+$0xD0];
	[tilespmem:v12+s15+$0x0] =	vst.idx.msk $0xffff, v9  }
0xcc: {  	[tilespmem:v15+s15+$0x0] =	vst.idx.msk $0xffff, v14;
	v14 =	vld [tilespmem:s25+$0xFFFFFE50];
	v15 =	vor.u32 s24, v5  }
0xcd: {  	v12 =	vor.u32 s0, v6;
	[tilespmem:v17+s15+$0x0] =	vst.idx.msk $0xffff, v16;
	v9 =	vld [tilespmem:s25+$0xFFFFFEE0]  }
0xce: {  	[tilespmem:v11+s15+$0x0] =	vst.idx.msk $0xffff, v8;
	v8 =	vld [tilespmem:s25+$0x150];
	v11 =	vor.u32 s29, v5  }
0xcf: {  	[tilespmem:v13+s15+$0x0] =	vst.idx.msk $0xffff, v10;
	v10 =	vld [tilespmem:s25+$0xFFFFFF60];
	v13 =	vor.u32 s2, v6  }
0xd0: {  	[tilespmem:v19+s15+$0x0] =	vst.idx.msk $0xffff, v18;
	v18 =	vld [tilespmem:s25+$0x60];
	v19 =	vor.u32 s8, v6  }
0xd1: {  	v17 =	vor.u32 s3, v6;
	v16 =	vld [tilespmem:s25+$0xFFFFFFE0];
	[tilespmem:v15+s15+$0x0] =	vst.idx.msk $0xffff, v14  }
0xd2: {  	v15 =	vor.u32 s24, v6;
	[tilespmem:v12+s15+$0x0] =	vst.idx.msk $0xffff, v9;
	v14 =	vld [tilespmem:s25+$0xFFFFFE60]  }
0xd3: {  	[tilespmem:v11+s15+$0x0] =	vst.idx.msk $0xffff, v8;
	v8 =	vld [tilespmem:s25+$0xE0];
	v11 =	vor.u32 s28, v6  }
0xd4: {  	[tilespmem:v13+s15+$0x0] =	vst.idx.msk $0xffff, v10;
	v13 =	vor.u32 s0, v7;
	v10 =	vld [tilespmem:s25+$0xFFFFFEF0]  }
0xd5: {  	[tilespmem:v19+s15+$0x0] =	vst.idx.msk $0xffff, v18;
	v12 =	vor.u32 s29, v6;
	v9 =	vld [tilespmem:s25+$0x160]  }
0xd6: {  	[tilespmem:v17+s15+$0x0] =	vst.idx.msk $0xffff, v16;
	v16 =	vld [tilespmem:s25+$0xFFFFFF70];
	v17 =	vor.u32 s2, v7  }
0xd7: {  	v19 =	vor.u32 s3, v7;
	v18 =	vld [tilespmem:s25+$0xFFFFFFF0];
	[tilespmem:v15+s15+$0x0] =	vst.idx.msk $0xffff, v14  }
0xd8: {  	[tilespmem:v11+s15+$0x0] =	vst.idx.msk $0xffff, v8;
	v8 =	vld [tilespmem:s25+$0x70];
	v11 =	vor.u32 s8, v7  }
0xd9: {  	v15 =	vor.u32 s24, v7;
	[tilespmem:v13+s15+$0x0] =	vst.idx.msk $0xffff, v10;
	v14 =	vld [tilespmem:s25+$0xFFFFFE70]  }
0xda: {  	[tilespmem:v12+s15+$0x0] =	vst.idx.msk $0xffff, v9;
	v9 =	vld [tilespmem:s25+$0xF0];
	v12 =	vor.u32 s28, v7  }
0xdb: {  	v13 =	vor.u32 s29, v7;
	[tilespmem:v17+s15+$0x0] =	vst.idx.msk $0xffff, v16;
	v10 =	vld [tilespmem:s25+$0x170]  }
0xdc: {  	[tilespmem:v19+s15+$0x0] =	vst.idx.msk $0xffff, v18  }
0xdd: {  	[tilespmem:v11+s15+$0x0] =	vst.idx.msk $0xffff, v8  }
0xde: {  	s8 =	sshll.u32 s23, $0xA;
	[tilespmem:v15+s15+$0x0] =	vst.idx.msk $0xffff, v14  }
0xdf: {  	s21 =	sadd.s32 $0x1, s21;
	s0 =	sand.u32 $0x1FFFFC00, s8;
	[tilespmem:v12+s15+$0x0] =	vst.idx.msk $0xffff, v9  }
0xe0: {  	p2 =	sge.u32 s21, s7;
	s0 =	sadd.s32 s4, s0;
	[tilespmem:v13+s15+$0x0] =	vst.idx.msk $0xffff, v10  }
0xe1: {  	[hbm4b:s0+s5] =	stream.linear.scatter [tilespmem:s15], [sflag:$0x3], $0x1000, $0x38;
	[tilespmem:$0x4000] =	vst v63  }
0xe2: {  	s0 =	sshll.u32 @!p2 s23, $0x8  }
0xe3: {  	s0 =	sand.u32 @!p2 $0x1FFFFF00, s0  }
0xe4: {  	s3 =	simm.s32 @!p2 $0x7A1400;
	s0 =	sadd.s32 @!p2 s1, s0  }
0xe5: {  	s2 =	simm.s32 @!p2 $0x400;
	s8 =	simm.s32 @!p2 $0x0;
	s0 =	sadd.s32 @!p2 $0x100, s0  }
0xe6: {  	[tilespmem:s8], [sflag:$0x1] =	stream.strided.gather @!p2 [hbm4b:s0+s2], $0x1000, s3, s2, $0x38;
	[tilespmem:$0x4000] =	vst v63  }
0xe7: {  	_ =	swait.ge [sflag:s16], $0x1000  }
0xe8: {  	[sflag:s16] =	ssyncset.done $0x0  }
0xe9: {  	s0 =	simm.s32 @!p1 $0x4;
	[sflag:s16] =	ssyncadd.s32 $0xFFFFF000  }
0xea: {  	_ =	swait.ge @!p1 [sflag:s0], $0x1000  }
0xeb: {  	[sflag:s0] =	ssyncset.done @!p1 $0x0  }
0xec: {  	s23 =	simm.s32 $0x7;
	[sflag:s0] =	ssyncadd.s32 @!p1 $0xFFFFF000;
	s0 =	simm.s32 $0x1200  }
0xed: {  	v9 =	vor.u32 s23, v0;
	s2 =	simm.s32 $0x1;
	v8 =	vld [tilespmem:s0+$0x180]  }
0xee: {  	s3 =	simm.s32 $0x2;
	v11 =	vor.u32 s2, v0;
	v10 =	vld [tilespmem:s0+$0xFFFFFE80]  }
0xef: {  	s24 =	simm.s32 $0x3;
	v13 =	vor.u32 s3, v0;
	v12 =	vld [tilespmem:s0+$0xFFFFFF00]  }
0xf0: {  	s25 =	simm.s32 $0x4;
	v15 =	vor.u32 s24, v0;
	v14 =	vld [tilespmem:s0+$0xFFFFFF80]  }
0xf1: {  	s29 =	simm.s32 $0x5;
	v17 =	vor.u32 s25, v0;
	v16 =	vld [tilespmem:s0+$0x0]  }
0xf2: {  	s30 =	simm.s32 $0x6;
	v19 =	vor.u32 s29, v0;
	v18 =	vld [tilespmem:s0+$0x80];
	[tilespmem:v9+s17+$0x0] =	vst.idx.msk $0xffff, v8  }
0xf3: {  	s31 =	simm.s32 $0x0;
	[tilespmem:v11+s17+$0x0] =	vst.idx.msk $0xffff, v10;
	v10 =	vld [tilespmem:s0+$0x100];
	v11 =	vor.u32 s30, v0  }
0xf4: {  	[tilespmem:v13+s17+$0x0] =	vst.idx.msk $0xffff, v12;
	v12 =	vld [tilespmem:s0+$0xFFFFFE00];
	v13 =	vor.u32 s31, v0  }
0xf5: {  	v9 =	vor.u32 s23, v1;
	[tilespmem:v15+s17+$0x0] =	vst.idx.msk $0xffff, v14;
	v8 =	vld [tilespmem:s0+$0x190]  }
0xf6: {  	v15 =	vor.u32 s2, v1;
	[tilespmem:v17+s17+$0x0] =	vst.idx.msk $0xffff, v16;
	v14 =	vld [tilespmem:s0+$0xFFFFFE90]  }
0xf7: {  	v17 =	vor.u32 s3, v1;
	[tilespmem:v19+s17+$0x0] =	vst.idx.msk $0xffff, v18;
	v16 =	vld [tilespmem:s0+$0xFFFFFF10]  }
0xf8: {  	v19 =	vor.u32 s24, v1;
	v18 =	vld [tilespmem:s0+$0xFFFFFF90];
	[tilespmem:v11+s17+$0x0] =	vst.idx.msk $0xffff, v10  }
0xf9: {  	[tilespmem:v13+s17+$0x0] =	vst.idx.msk $0xffff, v12;
	v10 =	vld [tilespmem:s0+$0x10];
	v11 =	vor.u32 s25, v1  }
0xfa: {  	v12 =	vld [tilespmem:s0+$0x90];
	v13 =	vor.u32 s29, v1;
	[tilespmem:v9+s17+$0x0] =	vst.idx.msk $0xffff, v8  }
0xfb: {  	[tilespmem:v15+s17+$0x0] =	vst.idx.msk $0xffff, v14;
	v14 =	vld [tilespmem:s0+$0x110];
	v15 =	vor.u32 s30, v1  }
0xfc: {  	v9 =	vor.u32 s23, v2;
	[tilespmem:v17+s17+$0x0] =	vst.idx.msk $0xffff, v16;
	v8 =	vld [tilespmem:s0+$0x1A0]  }
0xfd: {  	v16 =	vld [tilespmem:s0+$0xFFFFFE10];
	v17 =	vor.u32 s31, v1;
	[tilespmem:v19+s17+$0x0] =	vst.idx.msk $0xffff, v18  }
0xfe: {  	v19 =	vor.u32 s2, v2;
	v18 =	vld [tilespmem:s0+$0xFFFFFEA0];
	[tilespmem:v11+s17+$0x0] =	vst.idx.msk $0xffff, v10  }
0xff: {  	v10 =	vld [tilespmem:s0+$0xFFFFFF20];
	v11 =	vor.u32 s3, v2;
	[tilespmem:v13+s17+$0x0] =	vst.idx.msk $0xffff, v12  }
0x100: {  	v12 =	vld [tilespmem:s0+$0xFFFFFFA0];
	v13 =	vor.u32 s24, v2;
	[tilespmem:v15+s17+$0x0] =	vst.idx.msk $0xffff, v14  }
0x101: {  	v14 =	vld [tilespmem:s0+$0x20];
	v15 =	vor.u32 s25, v2;
	[tilespmem:v9+s17+$0x0] =	vst.idx.msk $0xffff, v8  }
0x102: {  	[tilespmem:v17+s17+$0x0] =	vst.idx.msk $0xffff, v16;
	v9 =	vor.u32 s23, v3;
	v8 =	vld [tilespmem:s0+$0x1B0]  }
0x103: {  	v16 =	vld [tilespmem:s0+$0xA0];
	v17 =	vor.u32 s29, v2;
	[tilespmem:v19+s17+$0x0] =	vst.idx.msk $0xffff, v18  }
0x104: {  	v18 =	vld [tilespmem:s0+$0x120];
	v19 =	vor.u32 s30, v2;
	[tilespmem:v11+s17+$0x0] =	vst.idx.msk $0xffff, v10  }
0x105: {  	v10 =	vld [tilespmem:s0+$0xFFFFFE20];
	v11 =	vor.u32 s31, v2;
	[tilespmem:v13+s17+$0x0] =	vst.idx.msk $0xffff, v12  }
0x106: {  	v12 =	vld [tilespmem:s0+$0xFFFFFEB0];
	v13 =	vor.u32 s2, v3;
	[tilespmem:v15+s17+$0x0] =	vst.idx.msk $0xffff, v14  }
0x107: {  	v14 =	vld [tilespmem:s0+$0xFFFFFF30];
	v15 =	vor.u32 s3, v3;
	[tilespmem:v9+s17+$0x0] =	vst.idx.msk $0xffff, v8  }
0x108: {  	[tilespmem:v17+s17+$0x0] =	vst.idx.msk $0xffff, v16;
	v9 =	vor.u32 s23, v4;
	v8 =	vld [tilespmem:s0+$0x1C0]  }
0x109: {  	v16 =	vld [tilespmem:s0+$0xFFFFFFB0];
	v17 =	vor.u32 s24, v3;
	[tilespmem:v19+s17+$0x0] =	vst.idx.msk $0xffff, v18  }
0x10a: {  	v18 =	vld [tilespmem:s0+$0x30];
	v19 =	vor.u32 s25, v3;
	[tilespmem:v11+s17+$0x0] =	vst.idx.msk $0xffff, v10  }
0x10b: {  	[tilespmem:v13+s17+$0x0] =	vst.idx.msk $0xffff, v12;
	v10 =	vld [tilespmem:s0+$0xB0];
	v11 =	vor.u32 s29, v3  }
0x10c: {  	v12 =	vld [tilespmem:s0+$0x130];
	v13 =	vor.u32 s30, v3;
	[tilespmem:v15+s17+$0x0] =	vst.idx.msk $0xffff, v14  }
0x10d: {  	v14 =	vld [tilespmem:s0+$0xFFFFFE30];
	v15 =	vor.u32 s31, v3;
	[tilespmem:v9+s17+$0x0] =	vst.idx.msk $0xffff, v8  }
0x10e: {  	[tilespmem:v17+s17+$0x0] =	vst.idx.msk $0xffff, v16;
	v9 =	vor.u32 s23, v5;
	v8 =	vld [tilespmem:s0+$0x1D0]  }
0x10f: {  	v16 =	vld [tilespmem:s0+$0xFFFFFEC0];
	v17 =	vor.u32 s2, v4;
	[tilespmem:v19+s17+$0x0] =	vst.idx.msk $0xffff, v18  }
0x110: {  	v18 =	vld [tilespmem:s0+$0xFFFFFF40];
	v19 =	vor.u32 s3, v4;
	[tilespmem:v11+s17+$0x0] =	vst.idx.msk $0xffff, v10  }
0x111: {  	v10 =	vld [tilespmem:s0+$0xFFFFFFC0];
	v11 =	vor.u32 s24, v4;
	[tilespmem:v13+s17+$0x0] =	vst.idx.msk $0xffff, v12  }
0x112: {  	v12 =	vld [tilespmem:s0+$0x40];
	v13 =	vor.u32 s25, v4;
	[tilespmem:v15+s17+$0x0] =	vst.idx.msk $0xffff, v14  }
0x113: {  	v14 =	vld [tilespmem:s0+$0xC0];
	v15 =	vor.u32 s29, v4;
	[tilespmem:v9+s17+$0x0] =	vst.idx.msk $0xffff, v8  }
0x114: {  	[tilespmem:v17+s17+$0x0] =	vst.idx.msk $0xffff, v16;
	v9 =	vor.u32 s23, v6;
	v8 =	vld [tilespmem:s0+$0x1E0]  }
0x115: {  	v16 =	vld [tilespmem:s0+$0x140];
	v17 =	vor.u32 s30, v4;
	[tilespmem:v19+s17+$0x0] =	vst.idx.msk $0xffff, v18  }
0x116: {  	v18 =	vld [tilespmem:s0+$0xFFFFFE40];
	v19 =	vor.u32 s31, v4;
	[tilespmem:v11+s17+$0x0] =	vst.idx.msk $0xffff, v10  }
0x117: {  	v10 =	vld [tilespmem:s0+$0xFFFFFED0];
	v11 =	vor.u32 s2, v5;
	[tilespmem:v13+s17+$0x0] =	vst.idx.msk $0xffff, v12  }
0x118: {  	v12 =	vld [tilespmem:s0+$0xFFFFFF50];
	v13 =	vor.u32 s3, v5;
	[tilespmem:v15+s17+$0x0] =	vst.idx.msk $0xffff, v14  }
0x119: {  	v14 =	vld [tilespmem:s0+$0xFFFFFFD0];
	v15 =	vor.u32 s24, v5;
	[tilespmem:v9+s17+$0x0] =	vst.idx.msk $0xffff, v8  }
0x11a: {  	[tilespmem:v17+s17+$0x0] =	vst.idx.msk $0xffff, v16;
	v9 =	vor.u32 s23, v7;
	v8 =	vld [tilespmem:s0+$0x1F0]  }
0x11b: {  	v16 =	vld [tilespmem:s0+$0x50];
	v17 =	vor.u32 s25, v5;
	[tilespmem:v19+s17+$0x0] =	vst.idx.msk $0xffff, v18  }
0x11c: {  	v18 =	vld [tilespmem:s0+$0xD0];
	v19 =	vor.u32 s29, v5;
	[tilespmem:v11+s17+$0x0] =	vst.idx.msk $0xffff, v10  }
0x11d: {  	v10 =	vld [tilespmem:s0+$0xFFFFFE50];
	v11 =	vor.u32 s31, v5;
	[tilespmem:v13+s17+$0x0] =	vst.idx.msk $0xffff, v12  }
0x11e: {  	v13 =	vor.u32 s2, v6;
	v12 =	vld [tilespmem:s0+$0xFFFFFEE0];
	[tilespmem:v15+s17+$0x0] =	vst.idx.msk $0xffff, v14  }
0x11f: {  	[tilespmem:v9+s17+$0x0] =	vst.idx.msk $0xffff, v8;
	v8 =	vld [tilespmem:s0+$0x150];
	v9 =	vor.u32 s30, v5  }
0x120: {  	v14 =	vld [tilespmem:s0+$0xFFFFFF60];
	v15 =	vor.u32 s3, v6;
	[tilespmem:v17+s17+$0x0] =	vst.idx.msk $0xffff, v16  }
0x121: {  	v17 =	vor.u32 s24, v6;
	v16 =	vld [tilespmem:s0+$0xFFFFFFE0];
	[tilespmem:v19+s17+$0x0] =	vst.idx.msk $0xffff, v18  }
0x122: {  	v18 =	vld [tilespmem:s0+$0x60];
	v19 =	vor.u32 s25, v6;
	[tilespmem:v11+s17+$0x0] =	vst.idx.msk $0xffff, v10  }
0x123: {  	v20 =	vor.u32 s31, v6;
	[tilespmem:v13+s17+$0x0] =	vst.idx.msk $0xffff, v12;
	v13 =	vld [tilespmem:s0+$0xFFFFFE60]  }
0x124: {  	[tilespmem:v9+s17+$0x0] =	vst.idx.msk $0xffff, v8;
	v8 =	vld [tilespmem:s0+$0xE0];
	v9 =	vor.u32 s29, v6  }
0x125: {  	v12 =	vor.u32 s30, v6;
	[tilespmem:v15+s17+$0x0] =	vst.idx.msk $0xffff, v14;
	v10 =	vld [tilespmem:s0+$0x160]  }
0x126: {  	v22 =	vor.u32 s2, v7;
	v21 =	vld [tilespmem:s0+$0xFFFFFEF0];
	[tilespmem:v17+s17+$0x0] =	vst.idx.msk $0xffff, v16  }
0x127: {  	v24 =	vor.u32 s3, v7;
	v23 =	vld [tilespmem:s0+$0xFFFFFF70];
	[tilespmem:v19+s17+$0x0] =	vst.idx.msk $0xffff, v18  }
0x128: {  	v17 =	vor.u32 s24, v7;
	v15 =	vld [tilespmem:s0+$0xFFFFFFF0];
	[tilespmem:v20+s17+$0x0] =	vst.idx.msk $0xffff, v13  }
0x129: {  	v16 =	vor.u32 s25, v7;
	v11 =	vld [tilespmem:s0+$0x70];
	[tilespmem:v9+s17+$0x0] =	vst.idx.msk $0xffff, v8  }
0x12a: {  	v14 =	vor.u32 s29, v7;
	[tilespmem:v12+s17+$0x0] =	vst.idx.msk $0xffff, v10;
	v8 =	vld [tilespmem:s0+$0xF0]  }
0x12b: {  	s26 =	simm.s32 $0x10;
	[tilespmem:v22+s17+$0x0] =	vst.idx.msk $0xffff, v21;
	v12 =	vor.u32 s30, v7;
	v9 =	vld [tilespmem:s0+$0x170]  }
0x12c: {  	s23 =	simm.s32 $0x8;
	s25 =	simm.s32 $0xF;
	s24 =	simm.s32 $0x1600;
	v13 =	vor.u32 s31, v7;
	[tilespmem:v24+s17+$0x0] =	vst.idx.msk $0xffff, v23;
	v10 =	vld [tilespmem:s0+$0xFFFFFE70]  }
.LBB2_5:
0x12d: {  	p1 =	slt.u32 s26, $0x18;
	s29 =	sadd.s32 $0x1, s23;
	v18 =	vld [tilespmem:s24+$0x180];
	v19 =	vor.u32 s25, v0;
	[tilespmem:v17+s17+$0x0] =	vst.idx.msk $0xffff, v15;
	s28 =	smov.u32 s23  }
0x12e: {  	s23 =	smov.u32 s26;
	v15 =	vld [tilespmem:s24+$0xFFFFFE80];
	v17 =	vor.u32 s29, v0;
	s30 =	sadd.s32 $0x2, s28;
	[tilespmem:v16+s17+$0x0] =	vst.idx.msk $0xffff, v11  }
0x12f: {  	s2 =	sadd.s32 $0x3, s28;
	v11 =	vld [tilespmem:s24+$0xFFFFFF00];
	v16 =	vor.u32 s30, v0;
	[tilespmem:v14+s17+$0x0] =	vst.idx.msk $0xffff, v8  }
0x130: {  	s0 =	sadd.s32 $0x4, s28;
	v14 =	vor.u32 s2, v0;
	v8 =	vld [tilespmem:s24+$0xFFFFFF80];
	[tilespmem:v12+s17+$0x0] =	vst.idx.msk $0xffff, v9  }
0x131: {  	s3 =	sadd.s32 $0x5, s28;
	v12 =	vor.u32 s0, v0;
	v9 =	vld [tilespmem:s24+$0x0];
	[tilespmem:v13+s17+$0x0] =	vst.idx.msk $0xffff, v10  }
0x132: {  	v13 =	vor.u32 s3, v0;
	v10 =	vld [tilespmem:s24+$0x80];
	[tilespmem:v19+s17+$0x0] =	vst.idx.msk $0xffff, v18  }
0x133: {  	s8 =	sadd.s32 $0x6, s28;
	[tilespmem:v17+s17+$0x0] =	vst.idx.msk $0xffff, v15;
	v15 =	vld [tilespmem:s24+$0x190];
	v17 =	vor.u32 s25, v1  }
0x134: {  	[tilespmem:v16+s17+$0x0] =	vst.idx.msk $0xffff, v11;
	v11 =	vld [tilespmem:s24+$0x100];
	v16 =	vor.u32 s8, v0  }
0x135: {  	v19 =	vor.u32 s28, v0;
	v18 =	vld [tilespmem:s24+$0xFFFFFE00];
	[tilespmem:v14+s17+$0x0] =	vst.idx.msk $0xffff, v8  }
0x136: {  	v14 =	vor.u32 s29, v1;
	v8 =	vld [tilespmem:s24+$0xFFFFFE90];
	[tilespmem:v12+s17+$0x0] =	vst.idx.msk $0xffff, v9  }
0x137: {  	v12 =	vor.u32 s30, v1;
	v9 =	vld [tilespmem:s24+$0xFFFFFF10];
	[tilespmem:v13+s17+$0x0] =	vst.idx.msk $0xffff, v10  }
0x138: {  	v13 =	vor.u32 s2, v1;
	v10 =	vld [tilespmem:s24+$0xFFFFFF90];
	[tilespmem:v17+s17+$0x0] =	vst.idx.msk $0xffff, v15  }
0x139: {  	v15 =	vor.u32 s25, v2;
	[tilespmem:v16+s17+$0x0] =	vst.idx.msk $0xffff, v11;
	v11 =	vld [tilespmem:s24+$0x1A0]  }
0x13a: {  	v17 =	vor.u32 s0, v1;
	[tilespmem:v19+s17+$0x0] =	vst.idx.msk $0xffff, v18;
	v16 =	vld [tilespmem:s24+$0x10]  }
0x13b: {  	[tilespmem:v14+s17+$0x0] =	vst.idx.msk $0xffff, v8;
	v8 =	vld [tilespmem:s24+$0x90];
	v14 =	vor.u32 s3, v1  }
0x13c: {  	[tilespmem:v12+s17+$0x0] =	vst.idx.msk $0xffff, v9;
	v9 =	vld [tilespmem:s24+$0x110];
	v12 =	vor.u32 s8, v1  }
0x13d: {  	v19 =	vor.u32 s28, v1;
	v18 =	vld [tilespmem:s24+$0xFFFFFE10];
	[tilespmem:v13+s17+$0x0] =	vst.idx.msk $0xffff, v10  }
0x13e: {  	v13 =	vor.u32 s29, v2;
	v10 =	vld [tilespmem:s24+$0xFFFFFEA0];
	[tilespmem:v15+s17+$0x0] =	vst.idx.msk $0xffff, v11  }
0x13f: {  	v15 =	vor.u32 s25, v3;
	[tilespmem:v17+s17+$0x0] =	vst.idx.msk $0xffff, v16;
	v11 =	vld [tilespmem:s24+$0x1B0]  }
0x140: {  	v17 =	vor.u32 s30, v2;
	v16 =	vld [tilespmem:s24+$0xFFFFFF20];
	[tilespmem:v14+s17+$0x0] =	vst.idx.msk $0xffff, v8  }
0x141: {  	v14 =	vor.u32 s2, v2;
	v8 =	vld [tilespmem:s24+$0xFFFFFFA0];
	[tilespmem:v12+s17+$0x0] =	vst.idx.msk $0xffff, v9  }
0x142: {  	v12 =	vor.u32 s0, v2;
	[tilespmem:v19+s17+$0x0] =	vst.idx.msk $0xffff, v18;
	v9 =	vld [tilespmem:s24+$0x20]  }
0x143: {  	[tilespmem:v13+s17+$0x0] =	vst.idx.msk $0xffff, v10;
	v10 =	vld [tilespmem:s24+$0xA0];
	v13 =	vor.u32 s3, v2  }
0x144: {  	v19 =	vor.u32 s8, v2;
	v18 =	vld [tilespmem:s24+$0x120];
	[tilespmem:v15+s17+$0x0] =	vst.idx.msk $0xffff, v11  }
0x145: {  	v15 =	vor.u32 s25, v4;
	[tilespmem:v17+s17+$0x0] =	vst.idx.msk $0xffff, v16;
	v11 =	vld [tilespmem:s24+$0x1C0]  }
0x146: {  	v17 =	vor.u32 s28, v2;
	v16 =	vld [tilespmem:s24+$0xFFFFFE20];
	[tilespmem:v14+s17+$0x0] =	vst.idx.msk $0xffff, v8  }
0x147: {  	v14 =	vor.u32 s29, v3;
	v8 =	vld [tilespmem:s24+$0xFFFFFEB0];
	[tilespmem:v12+s17+$0x0] =	vst.idx.msk $0xffff, v9  }
0x148: {  	v12 =	vor.u32 s30, v3;
	v9 =	vld [tilespmem:s24+$0xFFFFFF30];
	[tilespmem:v13+s17+$0x0] =	vst.idx.msk $0xffff, v10  }
0x149: {  	v13 =	vor.u32 s2, v3;
	v10 =	vld [tilespmem:s24+$0xFFFFFFB0];
	[tilespmem:v19+s17+$0x0] =	vst.idx.msk $0xffff, v18  }
0x14a: {  	v19 =	vor.u32 s0, v3;
	v18 =	vld [tilespmem:s24+$0x30];
	[tilespmem:v15+s17+$0x0] =	vst.idx.msk $0xffff, v11  }
0x14b: {  	v15 =	vor.u32 s25, v5;
	[tilespmem:v17+s17+$0x0] =	vst.idx.msk $0xffff, v16;
	v11 =	vld [tilespmem:s24+$0x1D0]  }
0x14c: {  	[tilespmem:v14+s17+$0x0] =	vst.idx.msk $0xffff, v8;
	v8 =	vld [tilespmem:s24+$0xB0];
	v14 =	vor.u32 s3, v3  }
0x14d: {  	[tilespmem:v12+s17+$0x0] =	vst.idx.msk $0xffff, v9;
	v9 =	vld [tilespmem:s24+$0x130];
	v12 =	vor.u32 s8, v3  }
0x14e: {  	v17 =	vor.u32 s28, v3;
	v16 =	vld [tilespmem:s24+$0xFFFFFE30];
	[tilespmem:v13+s17+$0x0] =	vst.idx.msk $0xffff, v10  }
0x14f: {  	v13 =	vor.u32 s29, v4;
	v10 =	vld [tilespmem:s24+$0xFFFFFEC0];
	[tilespmem:v19+s17+$0x0] =	vst.idx.msk $0xffff, v18  }
0x150: {  	v19 =	vor.u32 s30, v4;
	v18 =	vld [tilespmem:s24+$0xFFFFFF40];
	[tilespmem:v15+s17+$0x0] =	vst.idx.msk $0xffff, v11  }
0x151: {  	v11 =	vor.u32 s25, v6;
	[tilespmem:v14+s17+$0x0] =	vst.idx.msk $0xffff, v8;
	v8 =	vld [tilespmem:s24+$0x1E0]  }
0x152: {  	v15 =	vor.u32 s2, v4;
	v14 =	vld [tilespmem:s24+$0xFFFFFFC0];
	[tilespmem:v12+s17+$0x0] =	vst.idx.msk $0xffff, v9  }
0x153: {  	v12 =	vor.u32 s0, v4;
	[tilespmem:v17+s17+$0x0] =	vst.idx.msk $0xffff, v16;
	v9 =	vld [tilespmem:s24+$0x40]  }
0x154: {  	[tilespmem:v13+s17+$0x0] =	vst.idx.msk $0xffff, v10;
	v10 =	vld [tilespmem:s24+$0xC0];
	v13 =	vor.u32 s3, v4  }
0x155: {  	v17 =	vor.u32 s8, v4;
	[tilespmem:v19+s17+$0x0] =	vst.idx.msk $0xffff, v18;
	v16 =	vld [tilespmem:s24+$0x140]  }
0x156: {  	v19 =	vor.u32 s28, v4;
	v18 =	vld [tilespmem:s24+$0xFFFFFE40];
	[tilespmem:v11+s17+$0x0] =	vst.idx.msk $0xffff, v8  }
0x157: {  	v11 =	vor.u32 s25, v7;
	[tilespmem:v15+s17+$0x0] =	vst.idx.msk $0xffff, v14;
	v8 =	vld [tilespmem:s24+$0x1F0]  }
0x158: {  	v15 =	vor.u32 s29, v5;
	v14 =	vld [tilespmem:s24+$0xFFFFFED0];
	[tilespmem:v12+s17+$0x0] =	vst.idx.msk $0xffff, v9  }
0x159: {  	v12 =	vor.u32 s30, v5;
	v9 =	vld [tilespmem:s24+$0xFFFFFF50];
	[tilespmem:v13+s17+$0x0] =	vst.idx.msk $0xffff, v10  }
0x15a: {  	v13 =	vor.u32 s2, v5;
	v10 =	vld [tilespmem:s24+$0xFFFFFFD0];
	[tilespmem:v17+s17+$0x0] =	vst.idx.msk $0xffff, v16  }
0x15b: {  	v17 =	vor.u32 s0, v5;
	[tilespmem:v19+s17+$0x0] =	vst.idx.msk $0xffff, v18;
	v16 =	vld [tilespmem:s24+$0x50]  }
0x15c: {  	v19 =	vor.u32 s3, v5;
	v18 =	vld [tilespmem:s24+$0xD0];
	[tilespmem:v11+s17+$0x0] =	vst.idx.msk $0xffff, v8  }
0x15d: {  	v11 =	vor.u32 s8, v5;
	[tilespmem:v15+s17+$0x0] =	vst.idx.msk $0xffff, v14;
	v8 =	vld [tilespmem:s24+$0x150]  }
0x15e: {  	v15 =	vor.u32 s28, v5;
	v14 =	vld [tilespmem:s24+$0xFFFFFE50];
	[tilespmem:v12+s17+$0x0] =	vst.idx.msk $0xffff, v9  }
0x15f: {  	v12 =	vor.u32 s29, v6;
	v9 =	vld [tilespmem:s24+$0xFFFFFEE0];
	[tilespmem:v13+s17+$0x0] =	vst.idx.msk $0xffff, v10  }
0x160: {  	v13 =	vor.u32 s30, v6;
	v10 =	vld [tilespmem:s24+$0xFFFFFF60];
	[tilespmem:v17+s17+$0x0] =	vst.idx.msk $0xffff, v16  }
0x161: {  	v17 =	vor.u32 s2, v6;
	v16 =	vld [tilespmem:s24+$0xFFFFFFE0];
	[tilespmem:v19+s17+$0x0] =	vst.idx.msk $0xffff, v18  }
0x162: {  	v19 =	vor.u32 s0, v6;
	v18 =	vld [tilespmem:s24+$0x60];
	[tilespmem:v11+s17+$0x0] =	vst.idx.msk $0xffff, v8  }
0x163: {  	v11 =	vor.u32 s3, v6;
	[tilespmem:v15+s17+$0x0] =	vst.idx.msk $0xffff, v14;
	v8 =	vld [tilespmem:s24+$0xE0]  }
0x164: {  	[tilespmem:v12+s17+$0x0] =	vst.idx.msk $0xffff, v9;
	v9 =	vld [tilespmem:s24+$0x160];
	v12 =	vor.u32 s8, v6  }
0x165: {  	v20 =	vor.u32 s28, v6;
	v14 =	vld [tilespmem:s24+$0xFFFFFE60];
	[tilespmem:v13+s17+$0x0] =	vst.idx.msk $0xffff, v10  }
0x166: {  	v13 =	vor.u32 s29, v7;
	v10 =	vld [tilespmem:s24+$0xFFFFFEF0];
	[tilespmem:v17+s17+$0x0] =	vst.idx.msk $0xffff, v16  }
0x167: {  	v22 =	vor.u32 s30, v7;
	v21 =	vld [tilespmem:s24+$0xFFFFFF70];
	[tilespmem:v19+s17+$0x0] =	vst.idx.msk $0xffff, v18  }
.Ltmp1:
0x168: {  	v17 =	vor.u32 s2, v7;
	v15 =	vld [tilespmem:s24+$0xFFFFFFF0];
	[tilespmem:v11+s17+$0x0] =	vst.idx.msk $0xffff, v8;
	(pc) =	sbr.rel @p1 .LBB2_5-.Ltmp1, $4  }
0x169: {  	v16 =	vor.u32 s0, v7;
	v11 =	vld [tilespmem:s24+$0x70];
	[tilespmem:v12+s17+$0x0] =	vst.idx.msk $0xffff, v9  }
0x16a: {  	[tilespmem:v20+s17+$0x0] =	vst.idx.msk $0xffff, v14;
	v8 =	vld [tilespmem:s24+$0xF0];
	v14 =	vor.u32 s3, v7  }
0x16b: {  	v12 =	vor.u32 s8, v7;
	[tilespmem:v13+s17+$0x0] =	vst.idx.msk $0xffff, v10;
	v9 =	vld [tilespmem:s24+$0x170]  }
0x16c: {  	s26 =	sadd.s32 $0x8, s26;
	s25 =	sadd.s32 $0x7, s23;
	v13 =	vor.u32 s28, v7;
	v10 =	vld [tilespmem:s24+$0xFFFFFE70];
	[tilespmem:v22+s17+$0x0] =	vst.idx.msk $0xffff, v21;
	s24 =	sadd.s32 $0x400, s24  }
0x16d: {  	_ =	sdelay $0x3  }
0x16e: {  	v18 =	vld [tilespmem:s24+$0x180];
	v19 =	vor.u32 s25, v0;
	[tilespmem:v17+s17+$0x0] =	vst.idx.msk $0xffff, v15  }
0x16f: {  	s0 =	sadd.s32 $0x1, s23;
	v55 =	vld [tilespmem:s24+$0xFFFFFE00];
	v56 =	vor.u32 s23, v0;
	[tilespmem:v16+s17+$0x0] =	vst.idx.msk $0xffff, v11  }
0x170: {  	v42 =	vld [tilespmem:s24+$0xFFFFFE80];
	s2 =	sadd.s32 $0x2, s23;
	v43 =	vor.u32 s0, v0;
	[tilespmem:v14+s17+$0x0] =	vst.idx.msk $0xffff, v8  }
0x171: {  	v44 =	vld [tilespmem:s24+$0xFFFFFF00];
	s8 =	sadd.s32 $0x4, s23;
	v45 =	vor.u32 s2, v0;
	[tilespmem:v12+s17+$0x0] =	vst.idx.msk $0xffff, v9  }
0x172: {  	s3 =	sadd.s32 $0x3, s23;
	v47 =	vld [tilespmem:s24+$0x0];
	v48 =	vor.u32 s8, v0;
	[tilespmem:v13+s17+$0x0] =	vst.idx.msk $0xffff, v10  }
0x173: {  	s26 =	sadd.s32 $0x5, s23;
	v46 =	vor.u32 s3, v0;
	v8 =	vld [tilespmem:s24+$0xFFFFFF80];
	[tilespmem:v19+s17+$0x0] =	vst.idx.msk $0xffff, v18  }
0x174: {  	v49 =	vld [tilespmem:s24+$0x80];
	s28 =	sadd.s32 $0x6, s23;
	v50 =	vor.u32 s26, v0;
	[tilespmem:v56+s17+$0x0] =	vst.idx.msk $0xffff, v55  }
0x175: {  	v53 =	vld [tilespmem:s24+$0x100];
	v54 =	vor.u32 s28, v0;
	[tilespmem:v43+s17+$0x0] =	vst.idx.msk $0xffff, v42  }
0x176: {  	v52 =	vor.u32 s25, v1;
	v51 =	vld [tilespmem:s24+$0x190];
	[tilespmem:v45+s17+$0x0] =	vst.idx.msk $0xffff, v44  }
0x177: {  	v26 =	vor.u32 s23, v1;
	[tilespmem:v48+s17+$0x0] =	vst.idx.msk $0xffff, v47;
	v18 =	vld [tilespmem:s24+$0xFFFFFE10]  }
0x178: {  	v57 =	vor.u32 s0, v1;
	[tilespmem:v46+s17+$0x0] =	vst.idx.msk $0xffff, v8;
	v8 =	vld [tilespmem:s24+$0xFFFFFE90]  }
0x179: {  	v59 =	vor.u32 s2, v1;
	[tilespmem:v50+s17+$0x0] =	vst.idx.msk $0xffff, v49;
	v58 =	vld [tilespmem:s24+$0xFFFFFF10]  }
0x17a: {  	v22 =	vor.u32 s8, v1;
	[tilespmem:v54+s17+$0x0] =	vst.idx.msk $0xffff, v53;
	v21 =	vld [tilespmem:s24+$0x10]  }
0x17b: {  	v25 =	vor.u32 s28, v1;
	v24 =	vld [tilespmem:s24+$0x110];
	[tilespmem:v52+s17+$0x0] =	vst.idx.msk $0xffff, v51  }
0x17c: {  	v61 =	vor.u32 s3, v1;
	v60 =	vld [tilespmem:s24+$0xFFFFFF90];
	[tilespmem:v26+s17+$0x0] =	vst.idx.msk $0xffff, v18  }
0x17d: {  	v63 =	vor.u32 s25, v2;
	v62 =	vld [tilespmem:s24+$0x1A0];
	[tilespmem:v57+s17+$0x0] =	vst.idx.msk $0xffff, v8  }
0x17e: {  	v23 =	vor.u32 s26, v1;
	v8 =	vld [tilespmem:s24+$0x90];
	[tilespmem:v59+s17+$0x0] =	vst.idx.msk $0xffff, v58  }
0x17f: {  	v41 =	vor.u32 s23, v2;
	[tilespmem:v22+s17+$0x0] =	vst.idx.msk $0xffff, v21;
	v40 =	vld [tilespmem:s24+$0xFFFFFE20]  }
0x180: {  	v28 =	vor.u32 s0, v2;
	[tilespmem:v25+s17+$0x0] =	vst.idx.msk $0xffff, v24;
	v27 =	vld [tilespmem:s24+$0xFFFFFEA0]  }
0x181: {  	v31 =	vor.u32 s2, v2;
	[tilespmem:v61+s17+$0x0] =	vst.idx.msk $0xffff, v60;
	v30 =	vld [tilespmem:s24+$0xFFFFFF20]  }
0x182: {  	v34 =	vor.u32 s8, v2;
	v33 =	vld [tilespmem:s24+$0x20];
	[tilespmem:v63+s17+$0x0] =	vst.idx.msk $0xffff, v62  }
0x183: {  	v38 =	vor.u32 s28, v2;
	v37 =	vld [tilespmem:s24+$0x120];
	[tilespmem:v23+s17+$0x0] =	vst.idx.msk $0xffff, v8  }
0x184: {  	v29 =	vor.u32 s25, v3;
	[tilespmem:v41+s17+$0x0] =	vst.idx.msk $0xffff, v40;
	v11 =	vld [tilespmem:s24+$0x1B0]  }
0x185: {  	v32 =	vor.u32 s3, v2;
	v8 =	vld [tilespmem:s24+$0xFFFFFFA0];
	[tilespmem:v28+s17+$0x0] =	vst.idx.msk $0xffff, v27  }
0x186: {  	v36 =	vor.u32 s26, v2;
	v35 =	vld [tilespmem:s24+$0xA0];
	[tilespmem:v31+s17+$0x0] =	vst.idx.msk $0xffff, v30  }
0x187: {  	v53 =	vor.u32 s23, v3;
	[tilespmem:v34+s17+$0x0] =	vst.idx.msk $0xffff, v33;
	v16 =	vld [tilespmem:s24+$0xFFFFFE30]  }
0x188: {  	v44 =	vor.u32 s2, v3;
	[tilespmem:v38+s17+$0x0] =	vst.idx.msk $0xffff, v37;
	v43 =	vld [tilespmem:s24+$0xFFFFFF30]  }
0x189: {  	v48 =	vor.u32 s8, v3;
	v47 =	vld [tilespmem:s24+$0x30];
	[tilespmem:v29+s17+$0x0] =	vst.idx.msk $0xffff, v11  }
0x18a: {  	v39 =	vor.u32 s25, v4;
	[tilespmem:v32+s17+$0x0] =	vst.idx.msk $0xffff, v8;
	v11 =	vld [tilespmem:s24+$0x1C0]  }
0x18b: {  	v52 =	vor.u32 s28, v3;
	v51 =	vld [tilespmem:s24+$0x130];
	[tilespmem:v36+s17+$0x0] =	vst.idx.msk $0xffff, v35  }
0x18c: {  	v42 =	vor.u32 s0, v3;
	v8 =	vld [tilespmem:s24+$0xFFFFFEB0];
	[tilespmem:v53+s17+$0x0] =	vst.idx.msk $0xffff, v16  }
0x18d: {  	v46 =	vor.u32 s3, v3;
	v45 =	vld [tilespmem:s24+$0xFFFFFFB0];
	[tilespmem:v44+s17+$0x0] =	vst.idx.msk $0xffff, v43  }
0x18e: {  	v25 =	vor.u32 s23, v4;
	[tilespmem:v48+s17+$0x0] =	vst.idx.msk $0xffff, v47;
	v24 =	vld [tilespmem:s24+$0xFFFFFE40]  }
0x18f: {  	v57 =	vor.u32 s2, v4;
	v56 =	vld [tilespmem:s24+$0xFFFFFF40];
	[tilespmem:v39+s17+$0x0] =	vst.idx.msk $0xffff, v11  }
0x190: {  	v49 =	vor.u32 s25, v5;
	[tilespmem:v52+s17+$0x0] =	vst.idx.msk $0xffff, v51;
	v11 =	vld [tilespmem:s24+$0x1D0]  }
0x191: {  	v50 =	vor.u32 s26, v3;
	[tilespmem:v42+s17+$0x0] =	vst.idx.msk $0xffff, v8;
	v8 =	vld [tilespmem:s24+$0xB0]  }
0x192: {  	v62 =	vor.u32 s8, v4;
	v61 =	vld [tilespmem:s24+$0x40];
	[tilespmem:v46+s17+$0x0] =	vst.idx.msk $0xffff, v45  }
0x193: {  	v23 =	vor.u32 s28, v4;
	v22 =	vld [tilespmem:s24+$0x140];
	[tilespmem:v25+s17+$0x0] =	vst.idx.msk $0xffff, v24  }
0x194: {  	v55 =	vor.u32 s0, v4;
	v54 =	vld [tilespmem:s24+$0xFFFFFEC0];
	[tilespmem:v57+s17+$0x0] =	vst.idx.msk $0xffff, v56  }
0x195: {  	v60 =	vor.u32 s3, v4;
	v59 =	vld [tilespmem:s24+$0xFFFFFFC0];
	[tilespmem:v49+s17+$0x0] =	vst.idx.msk $0xffff, v11  }
0x196: {  	v58 =	vor.u32 s25, v6;
	[tilespmem:v50+s17+$0x0] =	vst.idx.msk $0xffff, v8;
	v8 =	vld [tilespmem:s24+$0x1E0]  }
0x197: {  	v39 =	vor.u32 s23, v5;
	[tilespmem:v62+s17+$0x0] =	vst.idx.msk $0xffff, v61;
	v38 =	vld [tilespmem:s24+$0xFFFFFE50]  }
0x198: {  	v30 =	vor.u32 s2, v5;
	[tilespmem:v23+s17+$0x0] =	vst.idx.msk $0xffff, v22;
	v29 =	vld [tilespmem:s24+$0xFFFFFF50]  }
0x199: {  	v34 =	vor.u32 s8, v5;
	v33 =	vld [tilespmem:s24+$0x50];
	[tilespmem:v55+s17+$0x0] =	vst.idx.msk $0xffff, v54  }
0x19a: {  	v21 =	vor.u32 s26, v4;
	v63 =	vld [tilespmem:s24+$0xC0];
	[tilespmem:v60+s17+$0x0] =	vst.idx.msk $0xffff, v59  }
0x19b: {  	v28 =	vor.u32 s0, v5;
	v27 =	vld [tilespmem:s24+$0xFFFFFED0];
	[tilespmem:v58+s17+$0x0] =	vst.idx.msk $0xffff, v8  }
0x19c: {  	v26 =	vor.u32 s25, v7;
	[tilespmem:v39+s17+$0x0] =	vst.idx.msk $0xffff, v38;
	v8 =	vld [tilespmem:s24+$0x1F0]  }
0x19d: {  	v32 =	vor.u32 s3, v5;
	v31 =	vld [tilespmem:s24+$0xFFFFFFD0];
	[tilespmem:v30+s17+$0x0] =	vst.idx.msk $0xffff, v29  }
0x19e: {  	v51 =	vor.u32 s23, v6;
	[tilespmem:v34+s17+$0x0] =	vst.idx.msk $0xffff, v33;
	v14 =	vld [tilespmem:s24+$0xFFFFFE60]  }
0x19f: {  	v43 =	vor.u32 s2, v6;
	v42 =	vld [tilespmem:s24+$0xFFFFFF60];
	[tilespmem:v21+s17+$0x0] =	vst.idx.msk $0xffff, v63  }
0x1a0: {  	v36 =	vor.u32 s26, v5;
	v35 =	vld [tilespmem:s24+$0xD0];
	[tilespmem:v28+s17+$0x0] =	vst.idx.msk $0xffff, v27  }
0x1a1: {  	v37 =	vor.u32 s28, v5;
	[tilespmem:v26+s17+$0x0] =	vst.idx.msk $0xffff, v8;
	v8 =	vld [tilespmem:s24+$0x150]  }
0x1a2: {  	v47 =	vor.u32 s8, v6;
	v46 =	vld [tilespmem:s24+$0x60];
	[tilespmem:v32+s17+$0x0] =	vst.idx.msk $0xffff, v31  }
0x1a3: {  	v41 =	vor.u32 s0, v6;
	v40 =	vld [tilespmem:s24+$0xFFFFFEE0];
	[tilespmem:v51+s17+$0x0] =	vst.idx.msk $0xffff, v14  }
0x1a4: {  	v45 =	vor.u32 s3, v6;
	v44 =	vld [tilespmem:s24+$0xFFFFFFE0];
	[tilespmem:v43+s17+$0x0] =	vst.idx.msk $0xffff, v42  }
0x1a5: {  	v63 =	vor.u32 s23, v7;
	v14 =	vld [tilespmem:s24+$0xFFFFFE70];
	[tilespmem:v36+s17+$0x0] =	vst.idx.msk $0xffff, v35  }
0x1a6: {  	v48 =	vor.u32 s26, v6;
	[tilespmem:v37+s17+$0x0] =	vst.idx.msk $0xffff, v8;
	v8 =	vld [tilespmem:s24+$0xE0]  }
0x1a7: {  	v50 =	vor.u32 s28, v6;
	[tilespmem:v47+s17+$0x0] =	vst.idx.msk $0xffff, v46;
	v49 =	vld [tilespmem:s24+$0x160]  }
0x1a8: {  	v55 =	vor.u32 s2, v7;
	v54 =	vld [tilespmem:s24+$0xFFFFFF70];
	[tilespmem:v41+s17+$0x0] =	vst.idx.msk $0xffff, v40  }
0x1a9: {  	v53 =	vor.u32 s0, v7;
	v52 =	vld [tilespmem:s24+$0xFFFFFEF0];
	[tilespmem:v45+s17+$0x0] =	vst.idx.msk $0xffff, v44  }
0x1aa: {  	v57 =	vor.u32 s3, v7;
	v56 =	vld [tilespmem:s24+$0xFFFFFFF0];
	[tilespmem:v63+s17+$0x0] =	vst.idx.msk $0xffff, v14  }
0x1ab: {  	v58 =	vor.u32 s8, v7;
	[tilespmem:v48+s17+$0x0] =	vst.idx.msk $0xffff, v8;
	v8 =	vld [tilespmem:s24+$0x70]  }
0x1ac: {  	v60 =	vor.u32 s26, v7;
	[tilespmem:v50+s17+$0x0] =	vst.idx.msk $0xffff, v49;
	v59 =	vld [tilespmem:s24+$0xF0]  }
0x1ad: {  	v62 =	vor.u32 s28, v7;
	[tilespmem:v55+s17+$0x0] =	vst.idx.msk $0xffff, v54;
	v61 =	vld [tilespmem:s24+$0x170]  }
0x1ae: {  	p1 =	sne.s32 s21, s7;
	[tilespmem:v53+s17+$0x0] =	vst.idx.msk $0xffff, v52  }
.Ltmp2:
0x1af: {  	[tilespmem:v57+s17+$0x0] =	vst.idx.msk $0xffff, v56;
	(pc) =	sbr.rel @p1 .LBB2_2-.Ltmp2, $4  }
0x1b0: {  	s31 =	sshll.u32 s22, $0x9;
	[tilespmem:v58+s17+$0x0] =	vst.idx.msk $0xffff, v8  }
0x1b1: {  	s0 =	sand.u32 $0x1FFFFE00, s31;
	[tilespmem:v60+s17+$0x0] =	vst.idx.msk $0xffff, v59  }
0x1b2: {  	s0 =	sadd.s32 s4, s0;
	[tilespmem:v62+s17+$0x0] =	vst.idx.msk $0xffff, v61  }
0x1b3: {  	[hbm4b:s0+s5] =	stream.linear.scatter [tilespmem:s17], [sflag:$0x4], $0x1000, $0x38;
	[tilespmem:$0x4000] =	vst v63  }
0x1b4: {  	_ =	swait.ge [sflag:s18], $0x1000  }
0x1b5: {  	[sflag:s18] =	ssyncset.done $0x0  }
0x1b6: {  	[sflag:s18] =	ssyncadd.s32 $0xFFFFF000  }
0x1b7: {  	_ =	swait.ge [sflag:s19], $0x1000  }
0x1b8: {  	[sflag:s19] =	ssyncset.done $0x0  }
0x1b9: {  	[sflag:s19] =	ssyncadd.s32 $0xFFFFF000  }
0x1ba: {  	s0 =	simm.s32 @!p0 $0x0;
	s2 =	simm.s32 @!p0 $0x2000;
	s3 =	rddreg [dreg:$0x1]  }
0x1bb: {  	[tilespmem:s2], [sflag:$0x1] =	stream.linear.gather @!p0 [hbm4b:s3+s0], $0x800, $0x38;
	[tilespmem:$0x4000] =	vst v63  }
0x1bc: {  	s3 =	simm.s32 @!p0 $0x1  }
0x1bd: {  	s20 =	sadd.s32 $0x1, s20;
	_ =	swait.ge @!p0 [sflag:s3], $0x800  }
0x1be: {  	p1 =	sne.s32 s20, s10;
	[sflag:s3] =	ssyncset.done @!p0 $0x0  }
.Ltmp3:
0x1bf: {  	[sflag:s3] =	ssyncadd.s32 @!p0 $0xFFFFF800;
	(pc) =	sbr.rel @p1 .LBB2_1-.Ltmp3, $4  }
0x1c0: {  	[hbm4b:s9+s0] =	stream.linear.scatter @!p0 [tilespmem:s2], [sflag:$0x1], $0x800, $0x38;
	[tilespmem:$0x4000] =	vst v63  }
0x1c1: {  	_ =	swait.ge @!p0 [sflag:s3], $0x800  }
0x1c2: {  	[sflag:s3] =	ssyncset.done @!p0 $0x0  }
0x1c3: {  	[sflag:s3] =	ssyncadd.s32 @!p0 $0xFFFFF800  }
0x1c4: {  	_ =	sfence.sel $0x180000  }
0x1c5: {  	[bflag:$0x0] =	sbarrier.arrive $0xFFFF  }
0x1c6: {  	_ =	strace $0x90000047  }
0x1c7: {  	s0 =	stileid.u32;
	[bflag:$0x2] =	sbarrier.arrive $0xFFFF  }
0x1c8: {  	p0 =	sne.s32 s0, $0x0;
	s0 =	rddreg [dreg:$0x3]  }
0x1c9: {  	s0 =	sadd.s32 @!p0 $0x100000, s0  }
0x1ca: {  	[sflag:s0] =	ssyncadd.tile.s32 @!p0 $0x1;
	_ =	shalt  }
.Lfunc_end2:
_tile_overlayer_lowered:
.L_overlay_start_2:
0x1cb: {  	(tag) =	ssettag $0x2  }
0x1cc: {  	s0 =	rddreg [dreg:$0x0];
	s2 =	stileid.u32  }
0x1cd: {  	s1 =	rddreg [dreg:$0x1];
	p0 =	sne.s32 s2, $0x0  }
0x1ce: {  	s3 =	rddreg [dreg:$0x2];
	[bflag:$0x3] =	sbarrier.arrive $0xFFFF;
	s2 =	simm.s32 @!p0 $0x1C05  }
0x1cf: {  	[timem:s3], [sflag:s2] =	dma.local @!p0 [hbm:s0], s1  }
0x1d0: {  	s0 =	simm.s32 @!p0 $0x5  }
0x1d1: {  	_ =	swait.ge @!p0 [sflag:s0], s1  }
0x1d2: {  	s1 =	ssub.s32 @!p0 $0x0, s1;
	[sflag:s0] =	ssyncset.done @!p0 $0x0  }
0x1d3: {  	[sflag:s0] =	ssyncadd.s32 @!p0 s1  }
0x1d4: {  	[bflag:$0x3] =	sbarrier.arrive $0xFFFF  }
0x1d5: {  	_ =	shalt  }

</sc_bundles>
